<compile_context>
chip_gen: v7x
topology: tpu7x:2x2x1
jax: 0.10.2.dev20260603
libtpu: 0.0.44.dev20260713+nightly
codegen_flags: <defaults>
</compile_context>

<pallas_src>
import functools

import jax
import jax.numpy as jnp
from jax import lax
from jax.experimental import pallas as pl
from jax.experimental.pallas import tpu as pltpu
from jax.experimental.pallas import tpu_sc as plsc

N = 10000
E = 320000
D = 128
NC = 2
NS = 16
NW = NC * NS
ET = E // NW
C = 125
NCH = ET // C
NP = 10240
STR = NP // NS

_MESH = plsc.VectorSubcoreMesh(core_axis_name="c", subcore_axis_name="s")



@functools.partial(
    pl.kernel,
    mesh=_MESH,
    out_type=(jax.ShapeDtypeStruct((N,), jnp.float32),
              jax.ShapeDtypeStruct((N,), jnp.float32)),
    scratch_types=[
        pltpu.VMEM((NCH, C), jnp.int32),
        pltpu.VMEM((C,), jnp.float32),
        pltpu.VMEM_SHARED((N,), jnp.float32),
    ],
)
def _deg_kernel(dst3_hbm, zerosf_hbm, pdeg0_hbm, pdeg1_hbm, didx, ones_v, acc):
    c = lax.axis_index("c")
    s = lax.axis_index("s")
    wid = s * NC + c

    pltpu.sync_copy(dst3_hbm.at[wid], didx)
    for j in range(C // 16):
        ones_v[pl.ds(j * 16, 16)] = jnp.ones((16,), jnp.float32)
    ones_v[pl.ds(C - 16, 16)] = jnp.ones((16,), jnp.float32)
    @pl.when(s == 0)
    def _():
        pltpu.sync_copy(zerosf_hbm, acc)
    plsc.subcore_barrier()

    def body(i, _):
        pltpu.sync_copy(ones_v, acc.at[didx.at[i]], add=True)
        return _
    lax.fori_loop(0, NCH, body, 0)

    plsc.subcore_barrier()
    @pl.when((s == 0) & (c == 0))
    def _():
        pltpu.sync_copy(acc, pdeg0_hbm)
    @pl.when((s == 0) & (c == 1))
    def _():
        pltpu.sync_copy(acc, pdeg1_hbm)


@functools.partial(
    pl.kernel,
    mesh=_MESH,
    out_type=jax.ShapeDtypeStruct((NC, NP, D), jnp.float32),
    scratch_types=[
        pltpu.VMEM((NCH, C), jnp.int32),
        pltpu.VMEM((NCH, C), jnp.int32),
        pltpu.VMEM((C, D), jnp.float32),
        pltpu.VMEM_SHARED((NP, D), jnp.float32),
        pltpu.SemaphoreType.DMA,
    ],
)
def _scatter_kernel(g_hbm, src3_hbm, dst3_hbm, zeros_hbm, ps_hbm,
                    sidx, didx, buf, acc, gsem):
    c = lax.axis_index("c")
    s = lax.axis_index("s")
    wid = s * NC + c

    pltpu.sync_copy(src3_hbm.at[wid], sidx)
    pltpu.sync_copy(dst3_hbm.at[wid], didx)

    pltpu.sync_copy(zeros_hbm, acc.at[pl.ds(s * STR, STR)])
    plsc.subcore_barrier()

    def body(i, _):
        pltpu.async_copy(g_hbm.at[sidx.at[i]], buf, gsem).wait()
        pltpu.sync_copy(buf, acc.at[didx.at[i]], add=True)
        return _
    lax.fori_loop(0, NCH, body, 0)

    plsc.subcore_barrier()
    pltpu.sync_copy(acc.at[pl.ds(s * STR, STR)],
                    ps_hbm.at[c, pl.ds(s * STR, STR)])



def _prep_body(p0_ref, p1_ref, x_ref, dinv_ref, g0_ref):
    deg = p0_ref[...] + p1_ref[...] + 1.0
    dinv = lax.rsqrt(deg)
    dinv_ref[...] = dinv
    g0_ref[...] = dinv * x_ref[...]


def _mid_body(p0_ref, p1_ref, g_ref, dinv_ref, out_ref):
    d2 = dinv_ref[...] * dinv_ref[...]
    out_ref[...] = d2 * (p0_ref[0] + p1_ref[0] + g_ref[...])


def _final_body(p0_ref, p1_ref, g_ref, dinv_ref, w_ref, b_ref, out_ref):
    h = dinv_ref[...] * (p0_ref[0] + p1_ref[0] + g_ref[...])
    out_ref[...] = (
        jnp.dot(h, w_ref[...], preferred_element_type=jnp.float32)
        + b_ref[...]
    )


_R = 2000


def _col_spec():
    return pl.BlockSpec((_R, 1), lambda i: (i, 0))


def _mat_spec():
    return pl.BlockSpec((_R, D), lambda i: (i, 0))


def _prep(p0c, p1c, x):
    return pl.pallas_call(
        _prep_body,
        grid=(N // _R,),
        in_specs=[_col_spec(), _col_spec(), _mat_spec()],
        out_specs=[_col_spec(), _mat_spec()],
        out_shape=[jax.ShapeDtypeStruct((N, 1), jnp.float32),
                   jax.ShapeDtypeStruct((N, D), jnp.float32)],
    )(p0c, p1c, x)


def _ps_spec(core):
    return pl.BlockSpec((1, _R, D), lambda i, core=core: (core, i, 0))


def _mid(ps, g, dinv):
    return pl.pallas_call(
        _mid_body,
        grid=(N // _R,),
        in_specs=[_ps_spec(0), _ps_spec(1), _mat_spec(), _col_spec()],
        out_specs=_mat_spec(),
        out_shape=jax.ShapeDtypeStruct((N, D), jnp.float32),
    )(ps, ps, g, dinv)


def _final(ps, g, dinv, W, b2):
    return pl.pallas_call(
        _final_body,
        grid=(N // _R,),
        in_specs=[_ps_spec(0), _ps_spec(1), _mat_spec(), _col_spec(),
                  pl.BlockSpec((D, D), lambda i: (0, 0)),
                  pl.BlockSpec((1, D), lambda i: (0, 0))],
        out_specs=_mat_spec(),
        out_shape=jax.ShapeDtypeStruct((N, D), jnp.float32),
    )(ps, ps, g, dinv, W, b2)



def kernel(x, edge_index, W, b):
    ei = edge_index.astype(jnp.int32)
    src3 = ei[0].reshape(NW, NCH, C)
    dst3 = ei[1].reshape(NW, NCH, C)
    zeros_f = jnp.zeros((N,), jnp.float32)
    zeros_m = jnp.zeros((STR, D), jnp.float32)

    pdeg0, pdeg1 = _deg_kernel(dst3, zeros_f)
    dinv, g0 = _prep(pdeg0.reshape(N, 1), pdeg1.reshape(N, 1), x)

    ps1 = _scatter_kernel(g0, src3, dst3, zeros_m)
    g1 = _mid(ps1, g0, dinv)

    ps2 = _scatter_kernel(g1, src3, dst3, zeros_m)
    out = _final(ps2, g1, dinv, W, b.reshape(1, D))
    return out

# --- scband reference (transcript-rebuilt; emitter-appended) ---
"""Pipeline reference for scband-sgc-609885356314 (READ-ONLY COPY).

The authoritative reference and input builder live on the scoring server;
editing this copy changes nothing except your own understanding.
"""

import jax, jax.numpy as jnp
import numpy as np

N_NODES = 10000
N_EDGES = 320000
D_IN = 128
D_OUT = 128
K = 2


def setup_inputs(seed: int = 0) -> dict:
    key = jax.random.key(seed)
    k1, k2, k3, k4 = jax.random.split(key, 4)
    x = jax.random.normal(k1, (N_NODES, D_IN), dtype=jnp.float32)
    edge_index = jax.random.randint(k2, (2, N_EDGES), 0, N_NODES, dtype=jnp.int64)
    # Linear layer params (PyG SGConv.lin), Glorot-ish init
    scale = 1.0 / np.sqrt(D_IN)
    W = jax.random.uniform(k3, (D_IN, D_OUT), minval=-scale, maxval=scale, dtype=jnp.float32)
    b = jax.random.uniform(k4, (D_OUT,), minval=-scale, maxval=scale, dtype=jnp.float32)
    return {"x": x, "edge_index": edge_index, "W": W, "b": b}


def reference(x, edge_index, W, b):
    # SGConv: (D^{-1/2} (A+I) D^{-1/2})^K x, then Linear. Dropout p=0 (identity).
    N = x.shape[0]
    src = edge_index[0]
    dst = edge_index[1]
    loop = jnp.arange(N, dtype=edge_index.dtype)
    src = jnp.concatenate([src, loop])
    dst = jnp.concatenate([dst, loop])
    ew = jnp.ones(src.shape[0], dtype=x.dtype)
    deg = jnp.zeros((N,), dtype=x.dtype).at[dst].add(ew)
    deg_inv_sqrt = jnp.where(deg > 0, jax.lax.rsqrt(deg), 0.0)
    norm = deg_inv_sqrt[src] * ew * deg_inv_sqrt[dst]
    h = x
    for _ in range(K):
        msg = norm[:, None] * jnp.take(h, src, axis=0)
        h = jnp.zeros_like(h).at[dst].add(msg)
    out = h @ W + b
    return out

if __name__ == "__main__":
    import jax
    _d = setup_inputs()
    print(jax.jit(kernel)(*tuple(_d.values())))

</pallas_src>

<mosaic_0001>
#map = affine_map<(d0, d1) -> (0, 0)>
#map1 = affine_map<(d0, d1) -> (0, 0, 0)>
module attributes {stable_mosaic.version = 14 : i64} {
  func.func @_scatter_kernel(%arg0: i32, %arg1: i32, %arg2: memref<10000x128xf32, #tpu.memory_space<hbm>>, %arg3: memref<32x80x125xi32, #tpu.memory_space<hbm>>, %arg4: memref<32x80x125xi32, #tpu.memory_space<hbm>>, %arg5: memref<640x128xf32, #tpu.memory_space<hbm>>, %arg6: memref<2x10240x128xf32, #tpu.memory_space<hbm>>, %arg7: memref<80x125xi32, #tpu.memory_space<vmem>>, %arg8: memref<80x125xi32, #tpu.memory_space<vmem>>, %arg9: memref<125x128xf32, #tpu.memory_space<vmem>>, %arg10: memref<10240x128xf32, #tpu.memory_space<vmem_shared>>, %arg11: memref<!tpu.dma_semaphore, #tpu.memory_space<semaphore_mem>>) attributes {dimension_semantics = [#tpu.dimension_semantics<core_parallel>, #tpu.dimension_semantics<subcore_parallel>], iteration_bounds = array<i64: 2, 16>, scalar_prefetch = 0 : i64, scratch_operands = 5 : i64, tpu.core_type = #tpu.core_type<sc_vector_subcore>, window_params = [{transform_indices = #map}, {transform_indices = #map1}, {transform_indices = #map1}, {transform_indices = #map}, {transform_indices = #map1}]} {
    %mul3A = arith.constant 2 : i32
    %mul3A_0 = arith.muli %arg1, %mul3A : i32
    %add3A = arith.addi %mul3A_0, %arg0 : i32
    "tpu.region"() ({
      %run_scoped3A = tpu.sem_alloc : memref<!tpu.dma_semaphore, #tpu.memory_space<semaphore_mem>>
      %dma_start3A = arith.constant 0 : i32
      %dma_start3A_13 = arith.constant 0 : i32
      %dma_start3A_14 = tpu.memref_slice %arg3[%add3A, %dma_start3A, %dma_start3A_13] : memref<32x80x125xi32, #tpu.memory_space<hbm>> -> memref<1x80x125xi32, #tpu.memory_space<hbm>>
      %dma_start3A_15 = tpu.memref_squeeze %dma_start3A_14 : memref<1x80x125xi32, #tpu.memory_space<hbm>> -> memref<80x125xi32, #tpu.memory_space<hbm>>
      %dma_start3A_16 = arith.constant 0 : i32
      %dma_start3A_17 = arith.constant 0 : i32
      %dma_start3A_18 = tpu.memref_slice %arg3[%add3A, %dma_start3A_16, %dma_start3A_17] : memref<32x80x125xi32, #tpu.memory_space<hbm>> -> memref<1x80x125xi32, #tpu.memory_space<hbm>>
      %dma_start3A_19 = tpu.memref_squeeze %dma_start3A_18 : memref<1x80x125xi32, #tpu.memory_space<hbm>> -> memref<80x125xi32, #tpu.memory_space<hbm>>
      tpu.enqueue_dma source(%dma_start3A_19 : memref<80x125xi32, #tpu.memory_space<hbm>>) target(%arg7 : memref<80x125xi32, #tpu.memory_space<vmem>>) target_semaphore(%run_scoped3A : memref<!tpu.dma_semaphore, #tpu.memory_space<semaphore_mem>>)
      %dma_wait3A = arith.constant 0 : i32
      %dma_wait3A_20 = arith.constant 0 : i32
      %dma_wait3A_21 = tpu.memref_slice %arg3[%add3A, %dma_wait3A, %dma_wait3A_20] : memref<32x80x125xi32, #tpu.memory_space<hbm>> -> memref<1x80x125xi32, #tpu.memory_space<hbm>>
      %dma_wait3A_22 = tpu.memref_squeeze %dma_wait3A_21 : memref<1x80x125xi32, #tpu.memory_space<hbm>> -> memref<80x125xi32, #tpu.memory_space<hbm>>
      %dma_wait3A_23 = arith.constant 0 : i32
      %dma_wait3A_24 = arith.constant 0 : i32
      %dma_wait3A_25 = tpu.memref_slice %arg3[%add3A, %dma_wait3A_23, %dma_wait3A_24] : memref<32x80x125xi32, #tpu.memory_space<hbm>> -> memref<1x80x125xi32, #tpu.memory_space<hbm>>
      %dma_wait3A_26 = tpu.memref_squeeze %dma_wait3A_25 : memref<1x80x125xi32, #tpu.memory_space<hbm>> -> memref<80x125xi32, #tpu.memory_space<hbm>>
      tpu.wait_dma2 semaphore(%run_scoped3A : memref<!tpu.dma_semaphore, #tpu.memory_space<semaphore_mem>>) src(%dma_wait3A_26 : memref<80x125xi32, #tpu.memory_space<hbm>>) dst(%arg7 : memref<80x125xi32, #tpu.memory_space<vmem>>)
      tpu.yield
    }) : () -> ()
    "tpu.region"() ({
      %run_scoped3A = tpu.sem_alloc : memref<!tpu.dma_semaphore, #tpu.memory_space<semaphore_mem>>
      %dma_start3A = arith.constant 0 : i32
      %dma_start3A_13 = arith.constant 0 : i32
      %dma_start3A_14 = tpu.memref_slice %arg4[%add3A, %dma_start3A, %dma_start3A_13] : memref<32x80x125xi32, #tpu.memory_space<hbm>> -> memref<1x80x125xi32, #tpu.memory_space<hbm>>
      %dma_start3A_15 = tpu.memref_squeeze %dma_start3A_14 : memref<1x80x125xi32, #tpu.memory_space<hbm>> -> memref<80x125xi32, #tpu.memory_space<hbm>>
      %dma_start3A_16 = arith.constant 0 : i32
      %dma_start3A_17 = arith.constant 0 : i32
      %dma_start3A_18 = tpu.memref_slice %arg4[%add3A, %dma_start3A_16, %dma_start3A_17] : memref<32x80x125xi32, #tpu.memory_space<hbm>> -> memref<1x80x125xi32, #tpu.memory_space<hbm>>
      %dma_start3A_19 = tpu.memref_squeeze %dma_start3A_18 : memref<1x80x125xi32, #tpu.memory_space<hbm>> -> memref<80x125xi32, #tpu.memory_space<hbm>>
      tpu.enqueue_dma source(%dma_start3A_19 : memref<80x125xi32, #tpu.memory_space<hbm>>) target(%arg8 : memref<80x125xi32, #tpu.memory_space<vmem>>) target_semaphore(%run_scoped3A : memref<!tpu.dma_semaphore, #tpu.memory_space<semaphore_mem>>)
      %dma_wait3A = arith.constant 0 : i32
      %dma_wait3A_20 = arith.constant 0 : i32
      %dma_wait3A_21 = tpu.memref_slice %arg4[%add3A, %dma_wait3A, %dma_wait3A_20] : memref<32x80x125xi32, #tpu.memory_space<hbm>> -> memref<1x80x125xi32, #tpu.memory_space<hbm>>
      %dma_wait3A_22 = tpu.memref_squeeze %dma_wait3A_21 : memref<1x80x125xi32, #tpu.memory_space<hbm>> -> memref<80x125xi32, #tpu.memory_space<hbm>>
      %dma_wait3A_23 = arith.constant 0 : i32
      %dma_wait3A_24 = arith.constant 0 : i32
      %dma_wait3A_25 = tpu.memref_slice %arg4[%add3A, %dma_wait3A_23, %dma_wait3A_24] : memref<32x80x125xi32, #tpu.memory_space<hbm>> -> memref<1x80x125xi32, #tpu.memory_space<hbm>>
      %dma_wait3A_26 = tpu.memref_squeeze %dma_wait3A_25 : memref<1x80x125xi32, #tpu.memory_space<hbm>> -> memref<80x125xi32, #tpu.memory_space<hbm>>
      tpu.wait_dma2 semaphore(%run_scoped3A : memref<!tpu.dma_semaphore, #tpu.memory_space<semaphore_mem>>) src(%dma_wait3A_26 : memref<80x125xi32, #tpu.memory_space<hbm>>) dst(%arg8 : memref<80x125xi32, #tpu.memory_space<vmem>>)
      tpu.yield
    }) : () -> ()
    %mul3A_1 = arith.constant 640 : i32
    %mul3A_2 = arith.muli %arg1, %mul3A_1 : i32
    "tpu.region"() ({
      %run_scoped3A = tpu.sem_alloc : memref<!tpu.dma_semaphore, #tpu.memory_space<semaphore_mem>>
      %dma_start3A = arith.constant 0 : i32
      %dma_start3A_13 = tpu.memref_slice %arg10[%mul3A_2, %dma_start3A] : memref<10240x128xf32, #tpu.memory_space<vmem_shared>> -> memref<640x128xf32, #tpu.memory_space<vmem_shared>>
      tpu.enqueue_dma source(%arg5 : memref<640x128xf32, #tpu.memory_space<hbm>>) target(%dma_start3A_13 : memref<640x128xf32, #tpu.memory_space<vmem_shared>>) target_semaphore(%run_scoped3A : memref<!tpu.dma_semaphore, #tpu.memory_space<semaphore_mem>>)
      %dma_wait3A = arith.constant 0 : i32
      %dma_wait3A_14 = tpu.memref_slice %arg10[%mul3A_2, %dma_wait3A] : memref<10240x128xf32, #tpu.memory_space<vmem_shared>> -> memref<640x128xf32, #tpu.memory_space<vmem_shared>>
      tpu.wait_dma2 semaphore(%run_scoped3A : memref<!tpu.dma_semaphore, #tpu.memory_space<semaphore_mem>>) src(%arg5 : memref<640x128xf32, #tpu.memory_space<hbm>>) dst(%dma_wait3A_14 : memref<640x128xf32, #tpu.memory_space<vmem_shared>>)
      tpu.yield
    }) : () -> ()
    %barrier3A = arith.constant 0 : index
    tpu.barrier barrier_id(%barrier3A)
    %scan3A = arith.constant 0 : i32
    %scan3A_3 = arith.constant 0 : i32
    %scan3A_4 = arith.constant 80 : i32
    %scan3A_5 = arith.addi %scan3A_3, %scan3A_4 : i32
    %scan3A_6 = arith.constant 1 : i32
    scf.for %scan3A_13 = %scan3A_3 to %scan3A_5 step %scan3A_6  : i32 {
      %dma_start3A = arith.constant 0 : i32
      %dma_start3A_14 = tpu.memref_slice %arg7[%scan3A_13, %dma_start3A] : memref<80x125xi32, #tpu.memory_space<vmem>> -> memref<1x125xi32, #tpu.memory_space<vmem>>
      %dma_start3A_15 = tpu.memref_squeeze %dma_start3A_14 : memref<1x125xi32, #tpu.memory_space<vmem>> -> memref<125xi32, #tpu.memory_space<vmem>>
      %dma_start3A_16 = arith.constant 0 : i32
      %dma_start3A_17 = arith.constant 0 : i32
      %dma_start3A_18 = tpu.memref_slice %arg2[%dma_start3A_16, %dma_start3A_17] : memref<10000x128xf32, #tpu.memory_space<hbm>> -> memref<10000x128xf32, #tpu.memory_space<hbm>>
      tpu.enqueue_indirect_dma source(%dma_start3A_18 : memref<10000x128xf32, #tpu.memory_space<hbm>>) target(%arg9 : memref<125x128xf32, #tpu.memory_space<vmem>>) offsets(%dma_start3A_15 : memref<125xi32, #tpu.memory_space<vmem>>) semaphore(%arg11 : memref<!tpu.dma_semaphore, #tpu.memory_space<semaphore_mem>>)
      %dma_wait3A = arith.constant 0 : i32
      %dma_wait3A_19 = tpu.memref_slice %arg7[%scan3A_13, %dma_wait3A] : memref<80x125xi32, #tpu.memory_space<vmem>> -> memref<1x125xi32, #tpu.memory_space<vmem>>
      %dma_wait3A_20 = tpu.memref_squeeze %dma_wait3A_19 : memref<1x125xi32, #tpu.memory_space<vmem>> -> memref<125xi32, #tpu.memory_space<vmem>>
      %dma_wait3A_21 = arith.constant 0 : i32
      %dma_wait3A_22 = arith.constant 0 : i32
      %dma_wait3A_23 = tpu.memref_slice %arg2[%dma_wait3A_21, %dma_wait3A_22] : memref<10000x128xf32, #tpu.memory_space<hbm>> -> memref<10000x128xf32, #tpu.memory_space<hbm>>
      tpu.wait_indirect_dma semaphore(%arg11 : memref<!tpu.dma_semaphore, #tpu.memory_space<semaphore_mem>>) src(%dma_wait3A_23 : memref<10000x128xf32, #tpu.memory_space<hbm>>) dst(%arg9 : memref<125x128xf32, #tpu.memory_space<vmem>>)
      "tpu.region"() ({
        %run_scoped3A = tpu.sem_alloc : memref<!tpu.dma_semaphore, #tpu.memory_space<semaphore_mem>>
        %dma_start3A_24 = arith.constant 0 : i32
        %dma_start3A_25 = tpu.memref_slice %arg8[%scan3A_13, %dma_start3A_24] : memref<80x125xi32, #tpu.memory_space<vmem>> -> memref<1x125xi32, #tpu.memory_space<vmem>>
        %dma_start3A_26 = tpu.memref_squeeze %dma_start3A_25 : memref<1x125xi32, #tpu.memory_space<vmem>> -> memref<125xi32, #tpu.memory_space<vmem>>
        %dma_start3A_27 = arith.constant 0 : i32
        %dma_start3A_28 = arith.constant 0 : i32
        %dma_start3A_29 = tpu.memref_slice %arg10[%dma_start3A_27, %dma_start3A_28] : memref<10240x128xf32, #tpu.memory_space<vmem_shared>> -> memref<10240x128xf32, #tpu.memory_space<vmem_shared>>
        tpu.enqueue_indirect_dma source(%arg9 : memref<125x128xf32, #tpu.memory_space<vmem>>) target(%dma_start3A_29 : memref<10240x128xf32, #tpu.memory_space<vmem_shared>>) offsets(%dma_start3A_26 : memref<125xi32, #tpu.memory_space<vmem>>) semaphore(%run_scoped3A : memref<!tpu.dma_semaphore, #tpu.memory_space<semaphore_mem>>) {add = true}
        %dma_wait3A_30 = arith.constant 0 : i32
        %dma_wait3A_31 = tpu.memref_slice %arg8[%scan3A_13, %dma_wait3A_30] : memref<80x125xi32, #tpu.memory_space<vmem>> -> memref<1x125xi32, #tpu.memory_space<vmem>>
        %dma_wait3A_32 = tpu.memref_squeeze %dma_wait3A_31 : memref<1x125xi32, #tpu.memory_space<vmem>> -> memref<125xi32, #tpu.memory_space<vmem>>
        %dma_wait3A_33 = arith.constant 0 : i32
        %dma_wait3A_34 = arith.constant 0 : i32
        %dma_wait3A_35 = tpu.memref_slice %arg10[%dma_wait3A_33, %dma_wait3A_34] : memref<10240x128xf32, #tpu.memory_space<vmem_shared>> -> memref<10240x128xf32, #tpu.memory_space<vmem_shared>>
        tpu.wait_indirect_dma semaphore(%run_scoped3A : memref<!tpu.dma_semaphore, #tpu.memory_space<semaphore_mem>>) src(%arg9 : memref<125x128xf32, #tpu.memory_space<vmem>>) dst(%dma_wait3A_35 : memref<10240x128xf32, #tpu.memory_space<vmem_shared>>)
        tpu.yield
      }) : () -> ()
    }
    %scan3A_7 = arith.constant 80 : i32
    %barrier3A_8 = arith.constant 0 : index
    tpu.barrier barrier_id(%barrier3A_8)
    %mul3A_9 = arith.constant 640 : i32
    %mul3A_10 = arith.muli %arg1, %mul3A_9 : i32
    %mul3A_11 = arith.constant 640 : i32
    %mul3A_12 = arith.muli %arg1, %mul3A_11 : i32
    "tpu.region"() ({
      %run_scoped3A = tpu.sem_alloc : memref<!tpu.dma_semaphore, #tpu.memory_space<semaphore_mem>>
      %dma_start3A = arith.constant 0 : i32
      %dma_start3A_13 = tpu.memref_slice %arg6[%arg0, %mul3A_12, %dma_start3A] : memref<2x10240x128xf32, #tpu.memory_space<hbm>> -> memref<1x640x128xf32, #tpu.memory_space<hbm>>
      %dma_start3A_14 = tpu.memref_squeeze %dma_start3A_13 : memref<1x640x128xf32, #tpu.memory_space<hbm>> -> memref<640x128xf32, #tpu.memory_space<hbm>>
      %dma_start3A_15 = arith.constant 0 : i32
      %dma_start3A_16 = tpu.memref_slice %arg10[%mul3A_10, %dma_start3A_15] : memref<10240x128xf32, #tpu.memory_space<vmem_shared>> -> memref<640x128xf32, #tpu.memory_space<vmem_shared>>
      tpu.enqueue_dma source(%dma_start3A_16 : memref<640x128xf32, #tpu.memory_space<vmem_shared>>) target(%dma_start3A_14 : memref<640x128xf32, #tpu.memory_space<hbm>>) target_semaphore(%run_scoped3A : memref<!tpu.dma_semaphore, #tpu.memory_space<semaphore_mem>>)
      %dma_wait3A = arith.constant 0 : i32
      %dma_wait3A_17 = tpu.memref_slice %arg6[%arg0, %mul3A_12, %dma_wait3A] : memref<2x10240x128xf32, #tpu.memory_space<hbm>> -> memref<1x640x128xf32, #tpu.memory_space<hbm>>
      %dma_wait3A_18 = tpu.memref_squeeze %dma_wait3A_17 : memref<1x640x128xf32, #tpu.memory_space<hbm>> -> memref<640x128xf32, #tpu.memory_space<hbm>>
      %dma_wait3A_19 = arith.constant 0 : i32
      %dma_wait3A_20 = tpu.memref_slice %arg10[%mul3A_10, %dma_wait3A_19] : memref<10240x128xf32, #tpu.memory_space<vmem_shared>> -> memref<640x128xf32, #tpu.memory_space<vmem_shared>>
      tpu.wait_dma2 semaphore(%run_scoped3A : memref<!tpu.dma_semaphore, #tpu.memory_space<semaphore_mem>>) src(%dma_wait3A_20 : memref<640x128xf32, #tpu.memory_space<vmem_shared>>) dst(%dma_wait3A_18 : memref<640x128xf32, #tpu.memory_space<hbm>>)
      tpu.yield
    }) : () -> ()
    return
  }
}

#map = affine_map<(d0, d1) -> (0, 0, 0)>
#map1 = affine_map<(d0, d1) -> (0)>
module attributes {stable_mosaic.version = 14 : i64} {
  func.func @_deg_kernel(%arg0: i32, %arg1: i32, %arg2: memref<32x80x125xi32, #tpu.memory_space<hbm>>, %arg3: memref<10000xf32, #tpu.memory_space<hbm>>, %arg4: memref<10000xf32, #tpu.memory_space<hbm>>, %arg5: memref<10000xf32, #tpu.memory_space<hbm>>, %arg6: memref<80x125xi32, #tpu.memory_space<vmem>>, %arg7: memref<125xf32, #tpu.memory_space<vmem>>, %arg8: memref<10000xf32, #tpu.memory_space<vmem_shared>>) attributes {dimension_semantics = [#tpu.dimension_semantics<core_parallel>, #tpu.dimension_semantics<subcore_parallel>], iteration_bounds = array<i64: 2, 16>, scalar_prefetch = 0 : i64, scratch_operands = 3 : i64, tpu.core_type = #tpu.core_type<sc_vector_subcore>, window_params = [{transform_indices = #map}, {transform_indices = #map1}, {transform_indices = #map1}, {transform_indices = #map1}]} {
    %mul3A = arith.constant 2 : i32
    %mul3A_0 = arith.muli %arg1, %mul3A : i32
    %add3A = arith.addi %mul3A_0, %arg0 : i32
    "tpu.region"() ({
      %run_scoped3A = tpu.sem_alloc : memref<!tpu.dma_semaphore, #tpu.memory_space<semaphore_mem>>
      %dma_start3A = arith.constant 0 : i32
      %dma_start3A_70 = arith.constant 0 : i32
      %dma_start3A_71 = tpu.memref_slice %arg2[%add3A, %dma_start3A, %dma_start3A_70] : memref<32x80x125xi32, #tpu.memory_space<hbm>> -> memref<1x80x125xi32, #tpu.memory_space<hbm>>
      %dma_start3A_72 = tpu.memref_squeeze %dma_start3A_71 : memref<1x80x125xi32, #tpu.memory_space<hbm>> -> memref<80x125xi32, #tpu.memory_space<hbm>>
      %dma_start3A_73 = arith.constant 0 : i32
      %dma_start3A_74 = arith.constant 0 : i32
      %dma_start3A_75 = tpu.memref_slice %arg2[%add3A, %dma_start3A_73, %dma_start3A_74] : memref<32x80x125xi32, #tpu.memory_space<hbm>> -> memref<1x80x125xi32, #tpu.memory_space<hbm>>
      %dma_start3A_76 = tpu.memref_squeeze %dma_start3A_75 : memref<1x80x125xi32, #tpu.memory_space<hbm>> -> memref<80x125xi32, #tpu.memory_space<hbm>>
      tpu.enqueue_dma source(%dma_start3A_76 : memref<80x125xi32, #tpu.memory_space<hbm>>) target(%arg6 : memref<80x125xi32, #tpu.memory_space<vmem>>) target_semaphore(%run_scoped3A : memref<!tpu.dma_semaphore, #tpu.memory_space<semaphore_mem>>)
      %dma_wait3A = arith.constant 0 : i32
      %dma_wait3A_77 = arith.constant 0 : i32
      %dma_wait3A_78 = tpu.memref_slice %arg2[%add3A, %dma_wait3A, %dma_wait3A_77] : memref<32x80x125xi32, #tpu.memory_space<hbm>> -> memref<1x80x125xi32, #tpu.memory_space<hbm>>
      %dma_wait3A_79 = tpu.memref_squeeze %dma_wait3A_78 : memref<1x80x125xi32, #tpu.memory_space<hbm>> -> memref<80x125xi32, #tpu.memory_space<hbm>>
      %dma_wait3A_80 = arith.constant 0 : i32
      %dma_wait3A_81 = arith.constant 0 : i32
      %dma_wait3A_82 = tpu.memref_slice %arg2[%add3A, %dma_wait3A_80, %dma_wait3A_81] : memref<32x80x125xi32, #tpu.memory_space<hbm>> -> memref<1x80x125xi32, #tpu.memory_space<hbm>>
      %dma_wait3A_83 = tpu.memref_squeeze %dma_wait3A_82 : memref<1x80x125xi32, #tpu.memory_space<hbm>> -> memref<80x125xi32, #tpu.memory_space<hbm>>
      tpu.wait_dma2 semaphore(%run_scoped3A : memref<!tpu.dma_semaphore, #tpu.memory_space<semaphore_mem>>) src(%dma_wait3A_83 : memref<80x125xi32, #tpu.memory_space<hbm>>) dst(%arg6 : memref<80x125xi32, #tpu.memory_space<vmem>>)
      tpu.yield
    }) : () -> ()
    %broadcast_in_dim3A = arith.constant 1.000000e+00 : f32
    %broadcast_in_dim3A_1 = vector.broadcast %broadcast_in_dim3A : f32 to vector<16xf32>
    %swap3A = arith.constant 0 : index
    %swap3A_2 = tpu.vector_load %arg7[%swap3A] {strides = array<i32>} : memref<125xf32, #tpu.memory_space<vmem>>, vector<16xf32>,
    %swap3A_3 = vector.shape_cast %swap3A_2 : vector<16xf32> to vector<16xf32>
    %swap3A_4 = vector.shape_cast %broadcast_in_dim3A_1 : vector<16xf32> to vector<16xf32>
    tpu.vector_store %arg7[%swap3A], %swap3A_4 {strides = array<i32>} : memref<125xf32, #tpu.memory_space<vmem>>, vector<16xf32>,
    %broadcast_in_dim3A_5 = arith.constant 1.000000e+00 : f32
    %broadcast_in_dim3A_6 = vector.broadcast %broadcast_in_dim3A_5 : f32 to vector<16xf32>
    %swap3A_7 = arith.constant 16 : index
    %swap3A_8 = tpu.vector_load %arg7[%swap3A_7] {strides = array<i32>} : memref<125xf32, #tpu.memory_space<vmem>>, vector<16xf32>,
    %swap3A_9 = vector.shape_cast %swap3A_8 : vector<16xf32> to vector<16xf32>
    %swap3A_10 = vector.shape_cast %broadcast_in_dim3A_6 : vector<16xf32> to vector<16xf32>
    tpu.vector_store %arg7[%swap3A_7], %swap3A_10 {strides = array<i32>} : memref<125xf32, #tpu.memory_space<vmem>>, vector<16xf32>,
    %broadcast_in_dim3A_11 = arith.constant 1.000000e+00 : f32
    %broadcast_in_dim3A_12 = vector.broadcast %broadcast_in_dim3A_11 : f32 to vector<16xf32>
    %swap3A_13 = arith.constant 32 : index
    %swap3A_14 = tpu.vector_load %arg7[%swap3A_13] {strides = array<i32>} : memref<125xf32, #tpu.memory_space<vmem>>, vector<16xf32>,
    %swap3A_15 = vector.shape_cast %swap3A_14 : vector<16xf32> to vector<16xf32>
    %swap3A_16 = vector.shape_cast %broadcast_in_dim3A_12 : vector<16xf32> to vector<16xf32>
    tpu.vector_store %arg7[%swap3A_13], %swap3A_16 {strides = array<i32>} : memref<125xf32, #tpu.memory_space<vmem>>, vector<16xf32>,
    %broadcast_in_dim3A_17 = arith.constant 1.000000e+00 : f32
    %broadcast_in_dim3A_18 = vector.broadcast %broadcast_in_dim3A_17 : f32 to vector<16xf32>
    %swap3A_19 = arith.constant 48 : index
    %swap3A_20 = tpu.vector_load %arg7[%swap3A_19] {strides = array<i32>} : memref<125xf32, #tpu.memory_space<vmem>>, vector<16xf32>,
    %swap3A_21 = vector.shape_cast %swap3A_20 : vector<16xf32> to vector<16xf32>
    %swap3A_22 = vector.shape_cast %broadcast_in_dim3A_18 : vector<16xf32> to vector<16xf32>
    tpu.vector_store %arg7[%swap3A_19], %swap3A_22 {strides = array<i32>} : memref<125xf32, #tpu.memory_space<vmem>>, vector<16xf32>,
    %broadcast_in_dim3A_23 = arith.constant 1.000000e+00 : f32
    %broadcast_in_dim3A_24 = vector.broadcast %broadcast_in_dim3A_23 : f32 to vector<16xf32>
    %swap3A_25 = arith.constant 64 : index
    %swap3A_26 = tpu.vector_load %arg7[%swap3A_25] {strides = array<i32>} : memref<125xf32, #tpu.memory_space<vmem>>, vector<16xf32>,
    %swap3A_27 = vector.shape_cast %swap3A_26 : vector<16xf32> to vector<16xf32>
    %swap3A_28 = vector.shape_cast %broadcast_in_dim3A_24 : vector<16xf32> to vector<16xf32>
    tpu.vector_store %arg7[%swap3A_25], %swap3A_28 {strides = array<i32>} : memref<125xf32, #tpu.memory_space<vmem>>, vector<16xf32>,
    %broadcast_in_dim3A_29 = arith.constant 1.000000e+00 : f32
    %broadcast_in_dim3A_30 = vector.broadcast %broadcast_in_dim3A_29 : f32 to vector<16xf32>
    %swap3A_31 = arith.constant 80 : index
    %swap3A_32 = tpu.vector_load %arg7[%swap3A_31] {strides = array<i32>} : memref<125xf32, #tpu.memory_space<vmem>>, vector<16xf32>,
    %swap3A_33 = vector.shape_cast %swap3A_32 : vector<16xf32> to vector<16xf32>
    %swap3A_34 = vector.shape_cast %broadcast_in_dim3A_30 : vector<16xf32> to vector<16xf32>
    tpu.vector_store %arg7[%swap3A_31], %swap3A_34 {strides = array<i32>} : memref<125xf32, #tpu.memory_space<vmem>>, vector<16xf32>,
    %broadcast_in_dim3A_35 = arith.constant 1.000000e+00 : f32
    %broadcast_in_dim3A_36 = vector.broadcast %broadcast_in_dim3A_35 : f32 to vector<16xf32>
    %swap3A_37 = arith.constant 96 : index
    %swap3A_38 = tpu.vector_load %arg7[%swap3A_37] {strides = array<i32>} : memref<125xf32, #tpu.memory_space<vmem>>, vector<16xf32>,
    %swap3A_39 = vector.shape_cast %swap3A_38 : vector<16xf32> to vector<16xf32>
    %swap3A_40 = vector.shape_cast %broadcast_in_dim3A_36 : vector<16xf32> to vector<16xf32>
    tpu.vector_store %arg7[%swap3A_37], %swap3A_40 {strides = array<i32>} : memref<125xf32, #tpu.memory_space<vmem>>, vector<16xf32>,
    %broadcast_in_dim3A_41 = arith.constant 1.000000e+00 : f32
    %broadcast_in_dim3A_42 = vector.broadcast %broadcast_in_dim3A_41 : f32 to vector<16xf32>
    %swap3A_43 = arith.constant 109 : index
    %swap3A_44 = tpu.vector_load %arg7[%swap3A_43] {strides = array<i32>} : memref<125xf32, #tpu.memory_space<vmem>>, vector<16xf32>,
    %swap3A_45 = vector.shape_cast %swap3A_44 : vector<16xf32> to vector<16xf32>
    %swap3A_46 = vector.shape_cast %broadcast_in_dim3A_42 : vector<16xf32> to vector<16xf32>
    tpu.vector_store %arg7[%swap3A_43], %swap3A_46 {strides = array<i32>} : memref<125xf32, #tpu.memory_space<vmem>>, vector<16xf32>,
    %eq3A = arith.constant 0 : i32
    %eq3A_47 = arith.cmpi eq, %arg1, %eq3A : i32
    %convert_element_type3A = arith.extui %eq3A_47 : i1 to i32
    %cond3A = arith.constant 0 : i32
    %cond3A_48 = arith.cmpi ne, %convert_element_type3A, %cond3A : i32
    scf.if %cond3A_48 {
      "tpu.region"() ({
        %run_scoped3A = tpu.sem_alloc : memref<!tpu.dma_semaphore, #tpu.memory_space<semaphore_mem>>
        tpu.enqueue_dma source(%arg3 : memref<10000xf32, #tpu.memory_space<hbm>>) target(%arg8 : memref<10000xf32, #tpu.memory_space<vmem_shared>>) target_semaphore(%run_scoped3A : memref<!tpu.dma_semaphore, #tpu.memory_space<semaphore_mem>>)
        tpu.wait_dma2 semaphore(%run_scoped3A : memref<!tpu.dma_semaphore, #tpu.memory_space<semaphore_mem>>) src(%arg3 : memref<10000xf32, #tpu.memory_space<hbm>>) dst(%arg8 : memref<10000xf32, #tpu.memory_space<vmem_shared>>)
        tpu.yield
      }) : () -> ()
    } else {
    }
    %barrier3A = arith.constant 0 : index
    tpu.barrier barrier_id(%barrier3A)
    %scan3A = arith.constant 0 : i32
    %scan3A_49 = arith.constant 0 : i32
    %scan3A_50 = arith.constant 80 : i32
    %scan3A_51 = arith.addi %scan3A_49, %scan3A_50 : i32
    %scan3A_52 = arith.constant 1 : i32
    scf.for %scan3A_70 = %scan3A_49 to %scan3A_51 step %scan3A_52  : i32 {
      "tpu.region"() ({
        %run_scoped3A = tpu.sem_alloc : memref<!tpu.dma_semaphore, #tpu.memory_space<semaphore_mem>>
        %dma_start3A = arith.constant 0 : i32
        %dma_start3A_71 = tpu.memref_slice %arg6[%scan3A_70, %dma_start3A] : memref<80x125xi32, #tpu.memory_space<vmem>> -> memref<1x125xi32, #tpu.memory_space<vmem>>
        %dma_start3A_72 = tpu.memref_squeeze %dma_start3A_71 : memref<1x125xi32, #tpu.memory_space<vmem>> -> memref<125xi32, #tpu.memory_space<vmem>>
        %dma_start3A_73 = arith.constant 0 : i32
        %dma_start3A_74 = tpu.memref_slice %arg8[%dma_start3A_73] : memref<10000xf32, #tpu.memory_space<vmem_shared>> -> memref<10000xf32, #tpu.memory_space<vmem_shared>>
        tpu.enqueue_indirect_dma source(%arg7 : memref<125xf32, #tpu.memory_space<vmem>>) target(%dma_start3A_74 : memref<10000xf32, #tpu.memory_space<vmem_shared>>) offsets(%dma_start3A_72 : memref<125xi32, #tpu.memory_space<vmem>>) semaphore(%run_scoped3A : memref<!tpu.dma_semaphore, #tpu.memory_space<semaphore_mem>>) {add = true}
        %dma_wait3A = arith.constant 0 : i32
        %dma_wait3A_75 = tpu.memref_slice %arg6[%scan3A_70, %dma_wait3A] : memref<80x125xi32, #tpu.memory_space<vmem>> -> memref<1x125xi32, #tpu.memory_space<vmem>>
        %dma_wait3A_76 = tpu.memref_squeeze %dma_wait3A_75 : memref<1x125xi32, #tpu.memory_space<vmem>> -> memref<125xi32, #tpu.memory_space<vmem>>
        %dma_wait3A_77 = arith.constant 0 : i32
        %dma_wait3A_78 = tpu.memref_slice %arg8[%dma_wait3A_77] : memref<10000xf32, #tpu.memory_space<vmem_shared>> -> memref<10000xf32, #tpu.memory_space<vmem_shared>>
        tpu.wait_indirect_dma semaphore(%run_scoped3A : memref<!tpu.dma_semaphore, #tpu.memory_space<semaphore_mem>>) src(%arg7 : memref<125xf32, #tpu.memory_space<vmem>>) dst(%dma_wait3A_78 : memref<10000xf32, #tpu.memory_space<vmem_shared>>)
        tpu.yield
      }) : () -> ()
    }
    %scan3A_53 = arith.constant 80 : i32
    %barrier3A_54 = arith.constant 0 : index
    tpu.barrier barrier_id(%barrier3A_54)
    %eq3A_55 = arith.constant 0 : i32
    %eq3A_56 = arith.cmpi eq, %arg1, %eq3A_55 : i32
    %eq3A_57 = arith.constant 0 : i32
    %eq3A_58 = arith.cmpi eq, %arg0, %eq3A_57 : i32
    %and3A = arith.andi %eq3A_56, %eq3A_58 : i1
    %convert_element_type3A_59 = arith.extui %and3A : i1 to i32
    %cond3A_60 = arith.constant 0 : i32
    %cond3A_61 = arith.cmpi ne, %convert_element_type3A_59, %cond3A_60 : i32
    scf.if %cond3A_61 {
      "tpu.region"() ({
        %run_scoped3A = tpu.sem_alloc : memref<!tpu.dma_semaphore, #tpu.memory_space<semaphore_mem>>
        tpu.enqueue_dma source(%arg8 : memref<10000xf32, #tpu.memory_space<vmem_shared>>) target(%arg4 : memref<10000xf32, #tpu.memory_space<hbm>>) target_semaphore(%run_scoped3A : memref<!tpu.dma_semaphore, #tpu.memory_space<semaphore_mem>>)
        tpu.wait_dma2 semaphore(%run_scoped3A : memref<!tpu.dma_semaphore, #tpu.memory_space<semaphore_mem>>) src(%arg8 : memref<10000xf32, #tpu.memory_space<vmem_shared>>) dst(%arg4 : memref<10000xf32, #tpu.memory_space<hbm>>)
        tpu.yield
      }) : () -> ()
    } else {
    }
    %eq3A_62 = arith.constant 0 : i32
    %eq3A_63 = arith.cmpi eq, %arg1, %eq3A_62 : i32
    %eq3A_64 = arith.constant 1 : i32
    %eq3A_65 = arith.cmpi eq, %arg0, %eq3A_64 : i32
    %and3A_66 = arith.andi %eq3A_63, %eq3A_65 : i1
    %convert_element_type3A_67 = arith.extui %and3A_66 : i1 to i32
    %cond3A_68 = arith.constant 0 : i32
    %cond3A_69 = arith.cmpi ne, %convert_element_type3A_67, %cond3A_68 : i32
    scf.if %cond3A_69 {
      "tpu.region"() ({
        %run_scoped3A = tpu.sem_alloc : memref<!tpu.dma_semaphore, #tpu.memory_space<semaphore_mem>>
        tpu.enqueue_dma source(%arg8 : memref<10000xf32, #tpu.memory_space<vmem_shared>>) target(%arg5 : memref<10000xf32, #tpu.memory_space<hbm>>) target_semaphore(%run_scoped3A : memref<!tpu.dma_semaphore, #tpu.memory_space<semaphore_mem>>)
        tpu.wait_dma2 semaphore(%run_scoped3A : memref<!tpu.dma_semaphore, #tpu.memory_space<semaphore_mem>>) src(%arg8 : memref<10000xf32, #tpu.memory_space<vmem_shared>>) dst(%arg5 : memref<10000xf32, #tpu.memory_space<hbm>>)
        tpu.yield
      }) : () -> ()
    } else {
    }
    return
  }
}

#map = affine_map<(d0, d1) -> (0, 0)>
#map1 = affine_map<(d0, d1) -> (0, 0, 0)>
module attributes {stable_mosaic.version = 14 : i64} {
  func.func @_scatter_kernel(%arg0: i32, %arg1: i32, %arg2: memref<10000x128xf32, #tpu.memory_space<hbm>>, %arg3: memref<32x80x125xi32, #tpu.memory_space<hbm>>, %arg4: memref<32x80x125xi32, #tpu.memory_space<hbm>>, %arg5: memref<640x128xf32, #tpu.memory_space<hbm>>, %arg6: memref<2x10240x128xf32, #tpu.memory_space<hbm>>, %arg7: memref<80x125xi32, #tpu.memory_space<vmem>>, %arg8: memref<80x125xi32, #tpu.memory_space<vmem>>, %arg9: memref<125x128xf32, #tpu.memory_space<vmem>>, %arg10: memref<10240x128xf32, #tpu.memory_space<vmem_shared>>, %arg11: memref<!tpu.dma_semaphore, #tpu.memory_space<semaphore_mem>>) attributes {dimension_semantics = [#tpu.dimension_semantics<core_parallel>, #tpu.dimension_semantics<subcore_parallel>], iteration_bounds = array<i64: 2, 16>, scalar_prefetch = 0 : i64, scratch_operands = 5 : i64, tpu.core_type = #tpu.core_type<sc_vector_subcore>, window_params = [{transform_indices = #map}, {transform_indices = #map1}, {transform_indices = #map1}, {transform_indices = #map}, {transform_indices = #map1}]} {
    %mul3A = arith.constant 2 : i32
    %mul3A_0 = arith.muli %arg1, %mul3A : i32
    %add3A = arith.addi %mul3A_0, %arg0 : i32
    "tpu.region"() ({
      %run_scoped3A = tpu.sem_alloc : memref<!tpu.dma_semaphore, #tpu.memory_space<semaphore_mem>>
      %dma_start3A = arith.constant 0 : i32
      %dma_start3A_13 = arith.constant 0 : i32
      %dma_start3A_14 = tpu.memref_slice %arg3[%add3A, %dma_start3A, %dma_start3A_13] : memref<32x80x125xi32, #tpu.memory_space<hbm>> -> memref<1x80x125xi32, #tpu.memory_space<hbm>>
      %dma_start3A_15 = tpu.memref_squeeze %dma_start3A_14 : memref<1x80x125xi32, #tpu.memory_space<hbm>> -> memref<80x125xi32, #tpu.memory_space<hbm>>
      %dma_start3A_16 = arith.constant 0 : i32
      %dma_start3A_17 = arith.constant 0 : i32
      %dma_start3A_18 = tpu.memref_slice %arg3[%add3A, %dma_start3A_16, %dma_start3A_17] : memref<32x80x125xi32, #tpu.memory_space<hbm>> -> memref<1x80x125xi32, #tpu.memory_space<hbm>>
      %dma_start3A_19 = tpu.memref_squeeze %dma_start3A_18 : memref<1x80x125xi32, #tpu.memory_space<hbm>> -> memref<80x125xi32, #tpu.memory_space<hbm>>
      tpu.enqueue_dma source(%dma_start3A_19 : memref<80x125xi32, #tpu.memory_space<hbm>>) target(%arg7 : memref<80x125xi32, #tpu.memory_space<vmem>>) target_semaphore(%run_scoped3A : memref<!tpu.dma_semaphore, #tpu.memory_space<semaphore_mem>>)
      %dma_wait3A = arith.constant 0 : i32
      %dma_wait3A_20 = arith.constant 0 : i32
      %dma_wait3A_21 = tpu.memref_slice %arg3[%add3A, %dma_wait3A, %dma_wait3A_20] : memref<32x80x125xi32, #tpu.memory_space<hbm>> -> memref<1x80x125xi32, #tpu.memory_space<hbm>>
      %dma_wait3A_22 = tpu.memref_squeeze %dma_wait3A_21 : memref<1x80x125xi32, #tpu.memory_space<hbm>> -> memref<80x125xi32, #tpu.memory_space<hbm>>
      %dma_wait3A_23 = arith.constant 0 : i32
      %dma_wait3A_24 = arith.constant 0 : i32
      %dma_wait3A_25 = tpu.memref_slice %arg3[%add3A, %dma_wait3A_23, %dma_wait3A_24] : memref<32x80x125xi32, #tpu.memory_space<hbm>> -> memref<1x80x125xi32, #tpu.memory_space<hbm>>
      %dma_wait3A_26 = tpu.memref_squeeze %dma_wait3A_25 : memref<1x80x125xi32, #tpu.memory_space<hbm>> -> memref<80x125xi32, #tpu.memory_space<hbm>>
      tpu.wait_dma2 semaphore(%run_scoped3A : memref<!tpu.dma_semaphore, #tpu.memory_space<semaphore_mem>>) src(%dma_wait3A_26 : memref<80x125xi32, #tpu.memory_space<hbm>>) dst(%arg7 : memref<80x125xi32, #tpu.memory_space<vmem>>)
      tpu.yield
    }) : () -> ()
    "tpu.region"() ({
      %run_scoped3A = tpu.sem_alloc : memref<!tpu.dma_semaphore, #tpu.memory_space<semaphore_mem>>
      %dma_start3A = arith.constant 0 : i32
      %dma_start3A_13 = arith.constant 0 : i32
      %dma_start3A_14 = tpu.memref_slice %arg4[%add3A, %dma_start3A, %dma_start3A_13] : memref<32x80x125xi32, #tpu.memory_space<hbm>> -> memref<1x80x125xi32, #tpu.memory_space<hbm>>
      %dma_start3A_15 = tpu.memref_squeeze %dma_start3A_14 : memref<1x80x125xi32, #tpu.memory_space<hbm>> -> memref<80x125xi32, #tpu.memory_space<hbm>>
      %dma_start3A_16 = arith.constant 0 : i32
      %dma_start3A_17 = arith.constant 0 : i32
      %dma_start3A_18 = tpu.memref_slice %arg4[%add3A, %dma_start3A_16, %dma_start3A_17] : memref<32x80x125xi32, #tpu.memory_space<hbm>> -> memref<1x80x125xi32, #tpu.memory_space<hbm>>
      %dma_start3A_19 = tpu.memref_squeeze %dma_start3A_18 : memref<1x80x125xi32, #tpu.memory_space<hbm>> -> memref<80x125xi32, #tpu.memory_space<hbm>>
      tpu.enqueue_dma source(%dma_start3A_19 : memref<80x125xi32, #tpu.memory_space<hbm>>) target(%arg8 : memref<80x125xi32, #tpu.memory_space<vmem>>) target_semaphore(%run_scoped3A : memref<!tpu.dma_semaphore, #tpu.memory_space<semaphore_mem>>)
      %dma_wait3A = arith.constant 0 : i32
      %dma_wait3A_20 = arith.constant 0 : i32
      %dma_wait3A_21 = tpu.memref_slice %arg4[%add3A, %dma_wait3A, %dma_wait3A_20] : memref<32x80x125xi32, #tpu.memory_space<hbm>> -> memref<1x80x125xi32, #tpu.memory_space<hbm>>
      %dma_wait3A_22 = tpu.memref_squeeze %dma_wait3A_21 : memref<1x80x125xi32, #tpu.memory_space<hbm>> -> memref<80x125xi32, #tpu.memory_space<hbm>>
      %dma_wait3A_23 = arith.constant 0 : i32
      %dma_wait3A_24 = arith.constant 0 : i32
      %dma_wait3A_25 = tpu.memref_slice %arg4[%add3A, %dma_wait3A_23, %dma_wait3A_24] : memref<32x80x125xi32, #tpu.memory_space<hbm>> -> memref<1x80x125xi32, #tpu.memory_space<hbm>>
      %dma_wait3A_26 = tpu.memref_squeeze %dma_wait3A_25 : memref<1x80x125xi32, #tpu.memory_space<hbm>> -> memref<80x125xi32, #tpu.memory_space<hbm>>
      tpu.wait_dma2 semaphore(%run_scoped3A : memref<!tpu.dma_semaphore, #tpu.memory_space<semaphore_mem>>) src(%dma_wait3A_26 : memref<80x125xi32, #tpu.memory_space<hbm>>) dst(%arg8 : memref<80x125xi32, #tpu.memory_space<vmem>>)
      tpu.yield
    }) : () -> ()
    %mul3A_1 = arith.constant 640 : i32
    %mul3A_2 = arith.muli %arg1, %mul3A_1 : i32
    "tpu.region"() ({
      %run_scoped3A = tpu.sem_alloc : memref<!tpu.dma_semaphore, #tpu.memory_space<semaphore_mem>>
      %dma_start3A = arith.constant 0 : i32
      %dma_start3A_13 = tpu.memref_slice %arg10[%mul3A_2, %dma_start3A] : memref<10240x128xf32, #tpu.memory_space<vmem_shared>> -> memref<640x128xf32, #tpu.memory_space<vmem_shared>>
      tpu.enqueue_dma source(%arg5 : memref<640x128xf32, #tpu.memory_space<hbm>>) target(%dma_start3A_13 : memref<640x128xf32, #tpu.memory_space<vmem_shared>>) target_semaphore(%run_scoped3A : memref<!tpu.dma_semaphore, #tpu.memory_space<semaphore_mem>>)
      %dma_wait3A = arith.constant 0 : i32
      %dma_wait3A_14 = tpu.memref_slice %arg10[%mul3A_2, %dma_wait3A] : memref<10240x128xf32, #tpu.memory_space<vmem_shared>> -> memref<640x128xf32, #tpu.memory_space<vmem_shared>>
      tpu.wait_dma2 semaphore(%run_scoped3A : memref<!tpu.dma_semaphore, #tpu.memory_space<semaphore_mem>>) src(%arg5 : memref<640x128xf32, #tpu.memory_space<hbm>>) dst(%dma_wait3A_14 : memref<640x128xf32, #tpu.memory_space<vmem_shared>>)
      tpu.yield
    }) : () -> ()
    %barrier3A = arith.constant 0 : index
    tpu.barrier barrier_id(%barrier3A)
    %scan3A = arith.constant 0 : i32
    %scan3A_3 = arith.constant 0 : i32
    %scan3A_4 = arith.constant 80 : i32
    %scan3A_5 = arith.addi %scan3A_3, %scan3A_4 : i32
    %scan3A_6 = arith.constant 1 : i32
    scf.for %scan3A_13 = %scan3A_3 to %scan3A_5 step %scan3A_6  : i32 {
      %dma_start3A = arith.constant 0 : i32
      %dma_start3A_14 = tpu.memref_slice %arg7[%scan3A_13, %dma_start3A] : memref<80x125xi32, #tpu.memory_space<vmem>> -> memref<1x125xi32, #tpu.memory_space<vmem>>
      %dma_start3A_15 = tpu.memref_squeeze %dma_start3A_14 : memref<1x125xi32, #tpu.memory_space<vmem>> -> memref<125xi32, #tpu.memory_space<vmem>>
      %dma_start3A_16 = arith.constant 0 : i32
      %dma_start3A_17 = arith.constant 0 : i32
      %dma_start3A_18 = tpu.memref_slice %arg2[%dma_start3A_16, %dma_start3A_17] : memref<10000x128xf32, #tpu.memory_space<hbm>> -> memref<10000x128xf32, #tpu.memory_space<hbm>>
      tpu.enqueue_indirect_dma source(%dma_start3A_18 : memref<10000x128xf32, #tpu.memory_space<hbm>>) target(%arg9 : memref<125x128xf32, #tpu.memory_space<vmem>>) offsets(%dma_start3A_15 : memref<125xi32, #tpu.memory_space<vmem>>) semaphore(%arg11 : memref<!tpu.dma_semaphore, #tpu.memory_space<semaphore_mem>>)
      %dma_wait3A = arith.constant 0 : i32
      %dma_wait3A_19 = tpu.memref_slice %arg7[%scan3A_13, %dma_wait3A] : memref<80x125xi32, #tpu.memory_space<vmem>> -> memref<1x125xi32, #tpu.memory_space<vmem>>
      %dma_wait3A_20 = tpu.memref_squeeze %dma_wait3A_19 : memref<1x125xi32, #tpu.memory_space<vmem>> -> memref<125xi32, #tpu.memory_space<vmem>>
      %dma_wait3A_21 = arith.constant 0 : i32
      %dma_wait3A_22 = arith.constant 0 : i32
      %dma_wait3A_23 = tpu.memref_slice %arg2[%dma_wait3A_21, %dma_wait3A_22] : memref<10000x128xf32, #tpu.memory_space<hbm>> -> memref<10000x128xf32, #tpu.memory_space<hbm>>
      tpu.wait_indirect_dma semaphore(%arg11 : memref<!tpu.dma_semaphore, #tpu.memory_space<semaphore_mem>>) src(%dma_wait3A_23 : memref<10000x128xf32, #tpu.memory_space<hbm>>) dst(%arg9 : memref<125x128xf32, #tpu.memory_space<vmem>>)
      "tpu.region"() ({
        %run_scoped3A = tpu.sem_alloc : memref<!tpu.dma_semaphore, #tpu.memory_space<semaphore_mem>>
        %dma_start3A_24 = arith.constant 0 : i32
        %dma_start3A_25 = tpu.memref_slice %arg8[%scan3A_13, %dma_start3A_24] : memref<80x125xi32, #tpu.memory_space<vmem>> -> memref<1x125xi32, #tpu.memory_space<vmem>>
        %dma_start3A_26 = tpu.memref_squeeze %dma_start3A_25 : memref<1x125xi32, #tpu.memory_space<vmem>> -> memref<125xi32, #tpu.memory_space<vmem>>
        %dma_start3A_27 = arith.constant 0 : i32
        %dma_start3A_28 = arith.constant 0 : i32
        %dma_start3A_29 = tpu.memref_slice %arg10[%dma_start3A_27, %dma_start3A_28] : memref<10240x128xf32, #tpu.memory_space<vmem_shared>> -> memref<10240x128xf32, #tpu.memory_space<vmem_shared>>
        tpu.enqueue_indirect_dma source(%arg9 : memref<125x128xf32, #tpu.memory_space<vmem>>) target(%dma_start3A_29 : memref<10240x128xf32, #tpu.memory_space<vmem_shared>>) offsets(%dma_start3A_26 : memref<125xi32, #tpu.memory_space<vmem>>) semaphore(%run_scoped3A : memref<!tpu.dma_semaphore, #tpu.memory_space<semaphore_mem>>) {add = true}
        %dma_wait3A_30 = arith.constant 0 : i32
        %dma_wait3A_31 = tpu.memref_slice %arg8[%scan3A_13, %dma_wait3A_30] : memref<80x125xi32, #tpu.memory_space<vmem>> -> memref<1x125xi32, #tpu.memory_space<vmem>>
        %dma_wait3A_32 = tpu.memref_squeeze %dma_wait3A_31 : memref<1x125xi32, #tpu.memory_space<vmem>> -> memref<125xi32, #tpu.memory_space<vmem>>
        %dma_wait3A_33 = arith.constant 0 : i32
        %dma_wait3A_34 = arith.constant 0 : i32
        %dma_wait3A_35 = tpu.memref_slice %arg10[%dma_wait3A_33, %dma_wait3A_34] : memref<10240x128xf32, #tpu.memory_space<vmem_shared>> -> memref<10240x128xf32, #tpu.memory_space<vmem_shared>>
        tpu.wait_indirect_dma semaphore(%run_scoped3A : memref<!tpu.dma_semaphore, #tpu.memory_space<semaphore_mem>>) src(%arg9 : memref<125x128xf32, #tpu.memory_space<vmem>>) dst(%dma_wait3A_35 : memref<10240x128xf32, #tpu.memory_space<vmem_shared>>)
        tpu.yield
      }) : () -> ()
    }
    %scan3A_7 = arith.constant 80 : i32
    %barrier3A_8 = arith.constant 0 : index
    tpu.barrier barrier_id(%barrier3A_8)
    %mul3A_9 = arith.constant 640 : i32
    %mul3A_10 = arith.muli %arg1, %mul3A_9 : i32
    %mul3A_11 = arith.constant 640 : i32
    %mul3A_12 = arith.muli %arg1, %mul3A_11 : i32
    "tpu.region"() ({
      %run_scoped3A = tpu.sem_alloc : memref<!tpu.dma_semaphore, #tpu.memory_space<semaphore_mem>>
      %dma_start3A = arith.constant 0 : i32
      %dma_start3A_13 = tpu.memref_slice %arg6[%arg0, %mul3A_12, %dma_start3A] : memref<2x10240x128xf32, #tpu.memory_space<hbm>> -> memref<1x640x128xf32, #tpu.memory_space<hbm>>
      %dma_start3A_14 = tpu.memref_squeeze %dma_start3A_13 : memref<1x640x128xf32, #tpu.memory_space<hbm>> -> memref<640x128xf32, #tpu.memory_space<hbm>>
      %dma_start3A_15 = arith.constant 0 : i32
      %dma_start3A_16 = tpu.memref_slice %arg10[%mul3A_10, %dma_start3A_15] : memref<10240x128xf32, #tpu.memory_space<vmem_shared>> -> memref<640x128xf32, #tpu.memory_space<vmem_shared>>
      tpu.enqueue_dma source(%dma_start3A_16 : memref<640x128xf32, #tpu.memory_space<vmem_shared>>) target(%dma_start3A_14 : memref<640x128xf32, #tpu.memory_space<hbm>>) target_semaphore(%run_scoped3A : memref<!tpu.dma_semaphore, #tpu.memory_space<semaphore_mem>>)
      %dma_wait3A = arith.constant 0 : i32
      %dma_wait3A_17 = tpu.memref_slice %arg6[%arg0, %mul3A_12, %dma_wait3A] : memref<2x10240x128xf32, #tpu.memory_space<hbm>> -> memref<1x640x128xf32, #tpu.memory_space<hbm>>
      %dma_wait3A_18 = tpu.memref_squeeze %dma_wait3A_17 : memref<1x640x128xf32, #tpu.memory_space<hbm>> -> memref<640x128xf32, #tpu.memory_space<hbm>>
      %dma_wait3A_19 = arith.constant 0 : i32
      %dma_wait3A_20 = tpu.memref_slice %arg10[%mul3A_10, %dma_wait3A_19] : memref<10240x128xf32, #tpu.memory_space<vmem_shared>> -> memref<640x128xf32, #tpu.memory_space<vmem_shared>>
      tpu.wait_dma2 semaphore(%run_scoped3A : memref<!tpu.dma_semaphore, #tpu.memory_space<semaphore_mem>>) src(%dma_wait3A_20 : memref<640x128xf32, #tpu.memory_space<vmem_shared>>) dst(%dma_wait3A_18 : memref<640x128xf32, #tpu.memory_space<hbm>>)
      tpu.yield
    }) : () -> ()
    return
  }
}

module attributes {stable_mosaic.version = 14 : i64} {
  func.func @_prep_body(%arg0: i32, %arg1: memref<2000x1xf32, #tpu.memory_space<vmem>>, %arg2: memref<2000x1xf32, #tpu.memory_space<vmem>>, %arg3: memref<2000x128xf32, #tpu.memory_space<vmem>>, %arg4: memref<2000x1xf32, #tpu.memory_space<vmem>>, %arg5: memref<2000x128xf32, #tpu.memory_space<vmem>>) attributes {dimension_semantics = [#tpu.dimension_semantics<arbitrary>], iteration_bounds = array<i64: 5>, scalar_prefetch = 0 : i64, scratch_operands = 0 : i64, tpu.core_type = #tpu.core_type<tc>, window_params = [{transform_indices = @transform_0, window_bounds = array<i64: 2000, 1>}, {transform_indices = @transform_1, window_bounds = array<i64: 2000, 1>}, {transform_indices = @transform_2, window_bounds = array<i64: 2000, 128>}, {transform_indices = @transform_3, window_bounds = array<i64: 2000, 1>}, {transform_indices = @transform_4, window_bounds = array<i64: 2000, 128>}]} {
    %get3A = arith.constant 0 : index
    %get3A_0 = arith.constant 0 : index
    %get3A_1 = vector.load %arg1[%get3A, %get3A_0] : memref<2000x1xf32, #tpu.memory_space<vmem>>, vector<2000x1xf32>
    %get3A_2 = arith.constant 0 : index
    %get3A_3 = arith.constant 0 : index
    %get3A_4 = vector.load %arg2[%get3A_2, %get3A_3] : memref<2000x1xf32, #tpu.memory_space<vmem>>, vector<2000x1xf32>
    %add3A = arith.addf %get3A_1, %get3A_4 : vector<2000x1xf32>
    %add3A_5 = arith.constant 1.000000e+00 : f32
    %add3A_6 = vector.broadcast %add3A_5 : f32 to vector<2000x1xf32>
    %add3A_7 = arith.addf %add3A, %add3A_6 : vector<2000x1xf32>
    %rsqrt3A = math.rsqrt %add3A_7 : vector<2000x1xf32>
    %swap3A = arith.constant 0 : index
    %swap3A_8 = arith.constant 0 : index
    %swap3A_9 = vector.load %arg4[%swap3A, %swap3A_8] : memref<2000x1xf32, #tpu.memory_space<vmem>>, vector<2000x1xf32>
    tpu.vector_store %arg4[%swap3A, %swap3A_8], %rsqrt3A {strides = array<i32>} : memref<2000x1xf32, #tpu.memory_space<vmem>>, vector<2000x1xf32>,
    %get3A_10 = arith.constant 0 : index
    %get3A_11 = arith.constant 0 : index
    %get3A_12 = vector.load %arg3[%get3A_10, %get3A_11] : memref<2000x128xf32, #tpu.memory_space<vmem>>, vector<2000x128xf32>
    %mul3A = vector.broadcast %rsqrt3A : vector<2000x1xf32> to vector<2000x128xf32>
    %mul3A_13 = arith.mulf %mul3A, %get3A_12 : vector<2000x128xf32>
    %swap3A_14 = arith.constant 0 : index
    %swap3A_15 = arith.constant 0 : index
    %swap3A_16 = vector.load %arg5[%swap3A_14, %swap3A_15] : memref<2000x128xf32, #tpu.memory_space<vmem>>, vector<2000x128xf32>
    tpu.vector_store %arg5[%swap3A_14, %swap3A_15], %mul3A_13 {strides = array<i32>} : memref<2000x128xf32, #tpu.memory_space<vmem>>, vector<2000x128xf32>,
    return
  }
  func.func @transform_0(%arg0: i32) -> (i32, i32) {
    %c0_i32 = arith.constant 0 : i32
    %c0_i32_0 = arith.constant 0 : i32
    return %arg0, %c0_i32 : i32, i32
  }
  func.func @transform_1(%arg0: i32) -> (i32, i32) {
    %c0_i32 = arith.constant 0 : i32
    %c0_i32_0 = arith.constant 0 : i32
    return %arg0, %c0_i32 : i32, i32
  }
  func.func @transform_2(%arg0: i32) -> (i32, i32) {
    %c0_i32 = arith.constant 0 : i32
    %c0_i32_0 = arith.constant 0 : i32
    return %arg0, %c0_i32 : i32, i32
  }
  func.func @transform_3(%arg0: i32) -> (i32, i32) {
    %c0_i32 = arith.constant 0 : i32
    %c0_i32_0 = arith.constant 0 : i32
    return %arg0, %c0_i32 : i32, i32
  }
  func.func @transform_4(%arg0: i32) -> (i32, i32) {
    %c0_i32 = arith.constant 0 : i32
    %c0_i32_0 = arith.constant 0 : i32
    return %arg0, %c0_i32 : i32, i32
  }
}

module attributes {stable_mosaic.version = 14 : i64} {
  func.func @_mid_body(%arg0: i32, %arg1: memref<1x2000x128xf32, #tpu.memory_space<vmem>>, %arg2: memref<1x2000x128xf32, #tpu.memory_space<vmem>>, %arg3: memref<2000x128xf32, #tpu.memory_space<vmem>>, %arg4: memref<2000x1xf32, #tpu.memory_space<vmem>>, %arg5: memref<2000x128xf32, #tpu.memory_space<vmem>>) attributes {dimension_semantics = [#tpu.dimension_semantics<arbitrary>], iteration_bounds = array<i64: 5>, scalar_prefetch = 0 : i64, scratch_operands = 0 : i64, tpu.core_type = #tpu.core_type<tc>, window_params = [{transform_indices = @transform_0, window_bounds = array<i64: 1, 2000, 128>}, {transform_indices = @transform_1, window_bounds = array<i64: 1, 2000, 128>}, {transform_indices = @transform_2, window_bounds = array<i64: 2000, 128>}, {transform_indices = @transform_3, window_bounds = array<i64: 2000, 1>}, {transform_indices = @transform_4, window_bounds = array<i64: 2000, 128>}]} {
    %get3A = arith.constant 0 : index
    %get3A_0 = arith.constant 0 : index
    %get3A_1 = vector.load %arg4[%get3A, %get3A_0] : memref<2000x1xf32, #tpu.memory_space<vmem>>, vector<2000x1xf32>
    %get3A_2 = arith.constant 0 : index
    %get3A_3 = arith.constant 0 : index
    %get3A_4 = vector.load %arg4[%get3A_2, %get3A_3] : memref<2000x1xf32, #tpu.memory_space<vmem>>, vector<2000x1xf32>
    %mul3A = arith.mulf %get3A_1, %get3A_4 : vector<2000x1xf32>
    %get3A_5 = arith.constant 0 : index
    %get3A_6 = arith.constant 0 : index
    %get3A_7 = arith.constant 0 : index
    %get3A_8 = vector.load %arg1[%get3A_5, %get3A_6, %get3A_7] : memref<1x2000x128xf32, #tpu.memory_space<vmem>>, vector<1x2000x128xf32>
    %get3A_9 = vector.shape_cast %get3A_8 : vector<1x2000x128xf32> to vector<2000x128xf32>
    %get3A_10 = arith.constant 0 : index
    %get3A_11 = arith.constant 0 : index
    %get3A_12 = arith.constant 0 : index
    %get3A_13 = vector.load %arg2[%get3A_10, %get3A_11, %get3A_12] : memref<1x2000x128xf32, #tpu.memory_space<vmem>>, vector<1x2000x128xf32>
    %get3A_14 = vector.shape_cast %get3A_13 : vector<1x2000x128xf32> to vector<2000x128xf32>
    %add3A = arith.addf %get3A_9, %get3A_14 : vector<2000x128xf32>
    %get3A_15 = arith.constant 0 : index
    %get3A_16 = arith.constant 0 : index
    %get3A_17 = vector.load %arg3[%get3A_15, %get3A_16] : memref<2000x128xf32, #tpu.memory_space<vmem>>, vector<2000x128xf32>
    %add3A_18 = arith.addf %add3A, %get3A_17 : vector<2000x128xf32>
    %mul3A_19 = vector.broadcast %mul3A : vector<2000x1xf32> to vector<2000x128xf32>
    %mul3A_20 = arith.mulf %mul3A_19, %add3A_18 : vector<2000x128xf32>
    %swap3A = arith.constant 0 : index
    %swap3A_21 = arith.constant 0 : index
    %swap3A_22 = vector.load %arg5[%swap3A, %swap3A_21] : memref<2000x128xf32, #tpu.memory_space<vmem>>, vector<2000x128xf32>
    tpu.vector_store %arg5[%swap3A, %swap3A_21], %mul3A_20 {strides = array<i32>} : memref<2000x128xf32, #tpu.memory_space<vmem>>, vector<2000x128xf32>,
    return
  }
  func.func @transform_0(%arg0: i32) -> (i32, i32, i32) {
    %c0_i32 = arith.constant 0 : i32
    %c0_i32_0 = arith.constant 0 : i32
    %c0_i32_1 = arith.constant 0 : i32
    return %c0_i32, %arg0, %c0_i32_0 : i32, i32, i32
  }
  func.func @transform_1(%arg0: i32) -> (i32, i32, i32) {
    %c1_i32 = arith.constant 1 : i32
    %c0_i32 = arith.constant 0 : i32
    %c0_i32_0 = arith.constant 0 : i32
    return %c1_i32, %arg0, %c0_i32 : i32, i32, i32
  }
  func.func @transform_2(%arg0: i32) -> (i32, i32) {
    %c0_i32 = arith.constant 0 : i32
    %c0_i32_0 = arith.constant 0 : i32
    return %arg0, %c0_i32 : i32, i32
  }
  func.func @transform_3(%arg0: i32) -> (i32, i32) {
    %c0_i32 = arith.constant 0 : i32
    %c0_i32_0 = arith.constant 0 : i32
    return %arg0, %c0_i32 : i32, i32
  }
  func.func @transform_4(%arg0: i32) -> (i32, i32) {
    %c0_i32 = arith.constant 0 : i32
    %c0_i32_0 = arith.constant 0 : i32
    return %arg0, %c0_i32 : i32, i32
  }
}

module attributes {stable_mosaic.version = 14 : i64} {
  func.func @_final_body(%arg0: i32, %arg1: memref<1x2000x128xf32, #tpu.memory_space<vmem>>, %arg2: memref<1x2000x128xf32, #tpu.memory_space<vmem>>, %arg3: memref<2000x128xf32, #tpu.memory_space<vmem>>, %arg4: memref<2000x1xf32, #tpu.memory_space<vmem>>, %arg5: memref<128x128xf32, #tpu.memory_space<vmem>>, %arg6: memref<1x128xf32, #tpu.memory_space<vmem>>, %arg7: memref<2000x128xf32, #tpu.memory_space<vmem>>) attributes {dimension_semantics = [#tpu.dimension_semantics<arbitrary>], iteration_bounds = array<i64: 5>, scalar_prefetch = 0 : i64, scratch_operands = 0 : i64, tpu.core_type = #tpu.core_type<tc>, window_params = [{transform_indices = @transform_0, window_bounds = array<i64: 1, 2000, 128>}, {transform_indices = @transform_1, window_bounds = array<i64: 1, 2000, 128>}, {transform_indices = @transform_2, window_bounds = array<i64: 2000, 128>}, {transform_indices = @transform_3, window_bounds = array<i64: 2000, 1>}, {pipeline_mode = #tpu.pipeline_mode<synchronous>, transform_indices = @transform_4, window_bounds = array<i64: 128, 128>}, {pipeline_mode = #tpu.pipeline_mode<synchronous>, transform_indices = @transform_5, window_bounds = array<i64: 1, 128>}, {transform_indices = @transform_6, window_bounds = array<i64: 2000, 128>}]} {
    %get3A = arith.constant 0 : index
    %get3A_0 = arith.constant 0 : index
    %get3A_1 = vector.load %arg4[%get3A, %get3A_0] : memref<2000x1xf32, #tpu.memory_space<vmem>>, vector<2000x1xf32>
    %get3A_2 = arith.constant 0 : index
    %get3A_3 = arith.constant 0 : index
    %get3A_4 = arith.constant 0 : index
    %get3A_5 = vector.load %arg1[%get3A_2, %get3A_3, %get3A_4] : memref<1x2000x128xf32, #tpu.memory_space<vmem>>, vector<1x2000x128xf32>
    %get3A_6 = vector.shape_cast %get3A_5 : vector<1x2000x128xf32> to vector<2000x128xf32>
    %get3A_7 = arith.constant 0 : index
    %get3A_8 = arith.constant 0 : index
    %get3A_9 = arith.constant 0 : index
    %get3A_10 = vector.load %arg2[%get3A_7, %get3A_8, %get3A_9] : memref<1x2000x128xf32, #tpu.memory_space<vmem>>, vector<1x2000x128xf32>
    %get3A_11 = vector.shape_cast %get3A_10 : vector<1x2000x128xf32> to vector<2000x128xf32>
    %add3A = arith.addf %get3A_6, %get3A_11 : vector<2000x128xf32>
    %get3A_12 = arith.constant 0 : index
    %get3A_13 = arith.constant 0 : index
    %get3A_14 = vector.load %arg3[%get3A_12, %get3A_13] : memref<2000x128xf32, #tpu.memory_space<vmem>>, vector<2000x128xf32>
    %add3A_15 = arith.addf %add3A, %get3A_14 : vector<2000x128xf32>
    %mul3A = vector.broadcast %get3A_1 : vector<2000x1xf32> to vector<2000x128xf32>
    %mul3A_16 = arith.mulf %mul3A, %add3A_15 : vector<2000x128xf32>
    %get3A_17 = arith.constant 0 : index
    %get3A_18 = arith.constant 0 : index
    %get3A_19 = vector.load %arg5[%get3A_17, %get3A_18] : memref<128x128xf32, #tpu.memory_space<vmem>>, vector<128x128xf32>
    %dot_general3A = arith.constant dense<0.000000e+00> : vector<2000x128xf32>
    %dot_general3A_20 = tpu.matmul %mul3A_16, %get3A_19, %dot_general3A {dimension_numbers = #tpu.dot_dimension_numbers<[1], [0], [0], [1], [0, 0, 1, 1], [], []>, transpose_lhs_hint = false} : vector<2000x128xf32>, vector<128x128xf32>, vector<2000x128xf32> -> vector<2000x128xf32>
    %get3A_21 = arith.constant 0 : index
    %get3A_22 = arith.constant 0 : index
    %get3A_23 = vector.load %arg6[%get3A_21, %get3A_22] : memref<1x128xf32, #tpu.memory_space<vmem>>, vector<1x128xf32>
    %add3A_24 = vector.broadcast %get3A_23 : vector<1x128xf32> to vector<2000x128xf32>
    %add3A_25 = arith.addf %dot_general3A_20, %add3A_24 : vector<2000x128xf32>
    %swap3A = arith.constant 0 : index
    %swap3A_26 = arith.constant 0 : index
    %swap3A_27 = vector.load %arg7[%swap3A, %swap3A_26] : memref<2000x128xf32, #tpu.memory_space<vmem>>, vector<2000x128xf32>
    tpu.vector_store %arg7[%swap3A, %swap3A_26], %add3A_25 {strides = array<i32>} : memref<2000x128xf32, #tpu.memory_space<vmem>>, vector<2000x128xf32>,
    return
  }
  func.func @transform_0(%arg0: i32) -> (i32, i32, i32) {
    %c0_i32 = arith.constant 0 : i32
    %c0_i32_0 = arith.constant 0 : i32
    %c0_i32_1 = arith.constant 0 : i32
    return %c0_i32, %arg0, %c0_i32_0 : i32, i32, i32
  }
  func.func @transform_1(%arg0: i32) -> (i32, i32, i32) {
    %c1_i32 = arith.constant 1 : i32
    %c0_i32 = arith.constant 0 : i32
    %c0_i32_0 = arith.constant 0 : i32
    return %c1_i32, %arg0, %c0_i32 : i32, i32, i32
  }
  func.func @transform_2(%arg0: i32) -> (i32, i32) {
    %c0_i32 = arith.constant 0 : i32
    %c0_i32_0 = arith.constant 0 : i32
    return %arg0, %c0_i32 : i32, i32
  }
  func.func @transform_3(%arg0: i32) -> (i32, i32) {
    %c0_i32 = arith.constant 0 : i32
    %c0_i32_0 = arith.constant 0 : i32
    return %arg0, %c0_i32 : i32, i32
  }
  func.func @transform_4(%arg0: i32) -> (i32, i32) {
    %c0_i32 = arith.constant 0 : i32
    %c0_i32_0 = arith.constant 0 : i32
    %c0_i32_1 = arith.constant 0 : i32
    return %c0_i32, %c0_i32_0 : i32, i32
  }
  func.func @transform_5(%arg0: i32) -> (i32, i32) {
    %c0_i32 = arith.constant 0 : i32
    %c0_i32_0 = arith.constant 0 : i32
    %c0_i32_1 = arith.constant 0 : i32
    return %c0_i32, %c0_i32_0 : i32, i32
  }
  func.func @transform_6(%arg0: i32) -> (i32, i32) {
    %c0_i32 = arith.constant 0 : i32
    %c0_i32_0 = arith.constant 0 : i32
    return %arg0, %c0_i32 : i32, i32
  }
}

</mosaic_0001>

<sc_bundles>
// kernel: kernel.11.cloned.1.call-start
scs
__scs_entry_jumppad:
0x0: {  	(pc) =	sbr.rel $0x88, $3  }
0x1: {  	(tag) =	ssettag $0x0;
	lr =	simm.s32 $0x1  }
0x2: {  	[smem:$0x3F9D] =	sst lr;
	_ =	strace $0xD0000000  }
0x3: {  	_ = 	snop  }
0x4: {  	_ = 	snop  }
0x5: {  	_ = 	snop  }
0x6: {  	_ = 	snop  }
0x7: {  	_ = 	snop  }
__scs_overlays_trampoline_lowered:
0x8: {  	[smem:$0x3FAC] =	sst s0  }
0x9: {  	[smem:$0x3FAD] =	sst s1  }
0xa: {  	[smem:$0x3FAE] =	sst s2  }
0xb: {  	[smem:$0x3FAF] =	sst s3  }
0xc: {  	[smem:$0x3FB0] =	sst s4  }
0xd: {  	[smem:$0x3FB1] =	sst s5  }
0xe: {  	[smem:$0x3FB2] =	sst s6  }
0xf: {  	[smem:$0x3FB3] =	sst s7  }
0x10: {  	[smem:$0x3FB4] =	sst s8  }
0x11: {  	[smem:$0x3FB5] =	sst s9;
	s0 =	simm.s32 @!p0 $0x0  }
0x12: {  	s1 =	sld [smem:$0x3F9B];
	s0 =	simm.s32 @p0 $0x1  }
0x13: {  	[smem:$0x3FB6] =	sst s0;
	s0 =	simm.s32 @!p1 $0x0  }
0x14: {  	s2 =	sld [smem:$0x3F9A];
	s0 =	simm.s32 @p1 $0x1  }
0x15: {  	[smem:$0x3FB7] =	sst s0;
	s0 =	simm.s32 @!p2 $0x0  }
0x16: {  	s3 =	sld [smem:$0x3FDB];
	s0 =	simm.s32 @p2 $0x1  }
0x17: {  	s4 =	simm.s32 $0x1BF5;
	[smem:$0x3FB9] =	sst s0  }
0x18: {  	s0 =	sld [smem:$0x3F9C];
	_ =	swait.ge [sflag:s4], $0x0  }
0x19: {  	s7 =	sld [smem:$0x3F9D]  }
0x1a: {  	s8 =	sadd.s32 $0xFFFFE003, lr  }
0x1b: {  	s9 =	sadd.s32 $0xFFFFFEF7, lr;
	s5 =	simm.s32 $0xFFFFFFFF;
	p2 =	slt.u32 s8, $0xFFFFF086  }
0x1c: {  	p1 =	slt.u32 s9, $0xF7A;
	s5 =	simm.s32 @!p2 $0x0  }
0x1d: {  	s5 =	simm.s32 @p1 $0x1;
	p0 =	seq.s32 s7, s2  }
0x1e: {  	s7 =	smul.u32 @!p0 $0xF7A, s2;
	p2 =	seq.s32 @!p0 s5, $0x0  }
0x1f: {  	s9 =	smul.u32 $0xF7A, s1;
	s8 =	simm.s32 @!p0 $0x1BF5;
	p2 =	por !p2, p0  }
0x20: {  	[sflag:s8] =	ssyncset.s32 @!p0 $0xFFFFF086;
	s6 =	sadd.s32 @!p0 s3, s7;
	s7 =	simm.s32 @!p0 $0x108  }
0x21: {  	s3 =	sadd.s32 s3, s9;
	s6 =	sadd.s32 @!p0 $0x88, s6;
	s7 =	simm.s32 @p2 $0x1082  }
0x22: {  	[simem:s7], [sflag:s8] =	dma.local @!p0 [hbm:s6], $0xF7A  }
0x23: {  	s9 =	sor.u32 $0xD0000000, s2;
	s6 =	simm.s32 $0x108;
	_ =	swait.ge @!p0 [sflag:s8], $0x0  }
0x24: {  	s3 =	sadd.s32 $0x88, s3;
	s6 =	simm.s32 @!p1 $0x1082;
	[sflag:s4] =	ssyncset.s32 $0xFFFFF086  }
0x25: {  	[simem:s6], [sflag:s4] =	dma.local [hbm:s3], $0xF7A  }
0x26: {  	[smem:$0x3F9D] =	sst s1;
	(tag) =	ssettag s2;
	_ =	strace s9  }
0x27: {  	s1 =	sld [smem:$0x3FAD]  }
0x28: {  	s2 =	sld [smem:$0x3FAE]  }
0x29: {  	s4 =	sld [smem:$0x3FB0]  }
0x2a: {  	p0 =	seq.s32 s5, $0x0;
	s5 =	sld [smem:$0x3FB1]  }
0x2b: {  	s6 =	sld [smem:$0x3FB2]  }
0x2c: {  	s7 =	sld [smem:$0x3FB3]  }
0x2d: {  	s3 =	simm.s32 $0x108;
	s8 =	sld [smem:$0x3FB4]  }
0x2e: {  	s3 =	simm.s32 @!p0 $0x1082;
	s9 =	sld [smem:$0x3FB5]  }
0x2f: {  	lr =	sadd.s32 s0, s3;
	s0 =	sld [smem:$0x3FAC]  }
0x30: {  	s3 =	sld [smem:$0x3FAF]  }
0x31: {  	[smem:$0x3FB8] =	sst s10  }
0x32: {  	s10 =	sld [smem:$0x3FB6];
	_ =	sdelay $0x3  }
0x33: {  	p0 =	seq.s32 s10, $0x1;
	s10 =	sld [smem:$0x3FB8];
	_ =	sdelay $0x3  }
0x34: {  	[smem:$0x3FB8] =	sst s10  }
0x35: {  	s10 =	sld [smem:$0x3FB7];
	_ =	sdelay $0x3  }
0x36: {  	p1 =	seq.s32 s10, $0x1;
	s10 =	sld [smem:$0x3FB8];
	_ =	sdelay $0x3  }
0x37: {  	[smem:$0x3FB8] =	sst s10  }
0x38: {  	s10 =	sld [smem:$0x3FB9]  }
0x39: {  	_ = 	snop;
	(pc) =	sbr.ind lr, $3  }
0x3a: {  	_ = 	snop  }
0x3b: {  	_ = 	snop  }
0x3c: {  	p2 =	seq.s32 s10, $0x1;
	s10 =	sld [smem:$0x3FB8]  }
0x3d: {  	_ =	shalt  }
0x3e: {  	_ =	shalt  }
0x3f: {  	_ =	shalt  }
0x40: {  	_ =	shalt  }
0x41: {  	_ =	shalt  }
0x42: {  	_ =	shalt  }
0x43: {  	_ =	shalt  }
0x44: {  	_ =	shalt  }
0x45: {  	_ =	shalt  }
0x46: {  	_ =	shalt  }
0x47: {  	_ =	shalt  }
0x48: {  	_ =	shalt  }
0x49: {  	_ =	shalt  }
0x4a: {  	_ =	shalt  }
0x4b: {  	_ =	shalt  }
0x4c: {  	_ =	shalt  }
0x4d: {  	_ =	shalt  }
0x4e: {  	_ =	shalt  }
0x4f: {  	_ =	shalt  }
0x50: {  	_ =	shalt  }
0x51: {  	_ =	shalt  }
0x52: {  	_ =	shalt  }
0x53: {  	_ =	shalt  }
0x54: {  	_ =	shalt  }
0x55: {  	_ =	shalt  }
0x56: {  	_ =	shalt  }
0x57: {  	_ =	shalt  }
0x58: {  	_ =	shalt  }
0x59: {  	_ =	shalt  }
0x5a: {  	_ =	shalt  }
0x5b: {  	_ =	shalt  }
0x5c: {  	_ =	shalt  }
0x5d: {  	_ =	shalt  }
0x5e: {  	_ =	shalt  }
0x5f: {  	_ =	shalt  }
0x60: {  	_ =	shalt  }
0x61: {  	_ =	shalt  }
0x62: {  	_ =	shalt  }
0x63: {  	_ =	shalt  }
0x64: {  	_ =	shalt  }
0x65: {  	_ =	shalt  }
0x66: {  	_ =	shalt  }
0x67: {  	_ =	shalt  }
0x68: {  	_ =	shalt  }
0x69: {  	_ =	shalt  }
0x6a: {  	_ =	shalt  }
0x6b: {  	_ =	shalt  }
0x6c: {  	_ =	shalt  }
0x6d: {  	_ =	shalt  }
0x6e: {  	_ =	shalt  }
0x6f: {  	_ =	shalt  }
0x70: {  	_ =	shalt  }
0x71: {  	_ =	shalt  }
0x72: {  	_ =	shalt  }
0x73: {  	_ =	shalt  }
0x74: {  	_ =	shalt  }
0x75: {  	_ =	shalt  }
0x76: {  	_ =	shalt  }
0x77: {  	_ =	shalt  }
0x78: {  	_ =	shalt  }
0x79: {  	_ =	shalt  }
0x7a: {  	_ =	shalt  }
0x7b: {  	_ =	shalt  }
0x7c: {  	_ =	shalt  }
0x7d: {  	_ =	shalt  }
0x7e: {  	_ =	shalt  }
0x7f: {  	_ =	shalt  }
0x80: {  	_ =	shalt  }
0x81: {  	_ =	shalt  }
0x82: {  	_ =	shalt  }
0x83: {  	_ =	shalt  }
0x84: {  	_ =	shalt  }
0x85: {  	_ =	shalt  }
0x86: {  	_ =	shalt  }
0x87: {  	_ =	shalt  }
.Lfunc_end0:
.L_simem_size_0:
called_computation.1_lowered:
.L_overlay_start_0:
0x88: {  	s2 =	sld [smem:$0x3FD9]  }
0x89: {  	s3 =	sld [smem:$0x3FFE];
	_ =	sdelay $0x1  }
0x8a: {  	s1 =	srdreg.scid  }
0x8b: {  	s0 =	sand.u32 $0x1, s1  }
0x8c: {  	s17 =	sshll.u32 s0, $0xA;
	s2 =	sadd.s32 s3, s2  }
0x8d: {  	s2 =	sadd.s32 s2, s17  }
0x8e: {  	[smem:$0x3FC4] =	sst s2  }
0x8f: {  	_ = 	snop  }
0x90: {  	s2 =	sld [smem:$0x3FD0];
	(tm) =	ssettm $0x1  }
0x91: {  	s18 =	sld [smem:$0x3FFB];
	_ =	sdelay $0x3  }
0x92: {  	_ =	strace s18  }
0x93: {  	s3 =	sld [smem:$0x3FFC];
	_ =	sdelay $0x3  }
0x94: {  	_ =	strace s3  }
0x95: {  	s3 =	sld [smem:$0x3FFD];
	_ =	sdelay $0x3  }
0x96: {  	_ =	strace s3  }
0x97: {  	_ =	strace $0x8FFFFFFF  }
0x98: {  	s19 =	sld [smem:$0x3FDB];
	_ =	sdelay $0x1  }
0x99: {  	s4 =	simm.s32 $_scs_section_size  }
0x9a: {  	s5 =	simm.s32 $_size__tile_overlayer_lowered;
	s6 =	simm.s32 $_tile_overlayer_lowered  }
0x9b: {  	s22 =	simm.s32 $0x1BFF;
	s21 =	sshll.u32 s6, $0x1;
	s3 =	sadd.s32 s4, s19  }
0x9c: {  	s7 =	simm.s32 $0x0;
	s20 =	sshll.u32 s5, $0x1;
	s5 =	sadd.s32 s21, s3  }
0x9d: {  	[timem:s7], [sflag:s22] =	dma.local [hbm:s5], s20  }
0x9e: {  	_ =	swait.ge [sflag:s22], s20  }
0x9f: {  	s4 =	ssub.s32 $0x0, s20;
	[sflag:s22] =	ssyncset.done $0x0  }
0xa0: {  	[sflag:s22] =	ssyncadd.s32 s4;
	_ =	sdelay $0x1  }
0xa1: {  	s23 =	simm.s32 $0x1B8B  }
0xa2: {  	_ =	swait.ge [sflag:s23], $0x1  }
0xa3: {  	[sflag:s23] =	ssyncset.done $0x0  }
0xa4: {  	s25 =	simm.s32 $0x1B8E;
	s24 =	sld [smem:$0x3FFE];
	[sflag:s23] =	ssyncadd.s32 $0xFFFFFFFF  }
0xa5: {  	s26 =	simm.s32 $execute0_lowered;
	[smem:$0x3FD2] =	sst s25  }
0xa6: {  	s5 =	sshll.u32 s26, $0x1;
	_ =	strace $0x80000049;
	[dreg:$0x1] =	wrdreg $0xFFFFFFFF  }
0xa7: {  	s28 =	simm.s32 $_size_execute0_lowered;
	s3 =	sadd.s32 s3, s5;
	[dreg:$0x0] =	wrdreg $0x0  }
0xa8: {  	s5 =	sshll.u32 s28, $0x1;
	[dreg:$0x2] =	wrdreg s3  }
0xa9: {  	[dreg:$0x3] =	wrdreg s5  }
0xaa: {  	[dreg:$0x4] =	wrdreg $0xC0  }
0xab: {  	_ =	task [dreg:s7], $0x5FFFF  }
0xac: {  	[dreg:$0x1] =	wrdreg $0xFFFFFFFF  }
0xad: {  	[dreg:$0x0] =	wrdreg $0x60  }
0xae: {  	[dreg:$0x2] =	wrdreg s2  }
0xaf: {  	[dreg:$0x3] =	wrdreg s24  }
0xb0: {  	[dreg:$0x4] =	wrdreg $0x90000  }
0xb1: {  	[dreg:$0x5] =	wrdreg $0x9  }
0xb2: {  	_ =	task.clear_ibuf [dreg:s7], $0x6FFFF;
	_ =	strace $0x90000049  }
0xb3: {  	s29 =	simm.s32 $0x9;
	_ =	strace $0x8000004B  }
0xb4: {  	_ =	swait.ge [sflag:s29], $0x1  }
0xb5: {  	[sflag:s29] =	ssyncadd.s32 $0xFFFFFFFF  }
0xb6: {  	_ =	strace $0x9000004B  }
0xb7: {  	_ =	sfence  }
0xb8: {  	s30 =	sld [smem:$0x0];
	_ =	sdelay $0x2  }
0xb9: {  	s31 =	sshll.u32 s1, $0xD;
	s1 =	sshrl.u32 s1, $0x2  }
0xba: {  	s3 =	sand.u32 $0x4000, s31;
	s1 =	sadd.s32 s1, s30  }
0xbb: {  	s0 =	sor.u32 s3, s0;
	s1 =	sshll.u32 s1, $0x11  }
0xbc: {  	s0 =	sor.u32 s1, s0  }
0xbd: {  	s0 =	sadd.s32 $0x8F2B, s0  }
0xbe: {  	[sflag:s0] =	ssyncadd.remote.s32 $0x1  }
0xbf: {  	_ =	sfence.sel $0xFFFF  }
0xc0: {  	[dreg:$0x0] =	wrdreg $0xFFFFFFFF;
	(pc) =	sbr.abs _section_cstart, $3  }
0xc1: {  	[dreg:$0x1] =	wrdreg $0xFFFFFFFF  }
0xc2: {  	_ =	task.clear_ibuf [dreg:s7], $0x2FFFF;
	_ =	strace $0x9FFFFFFF  }
0xc3: {  	(tm) =	ssettm $0x7FFFFFFF  }
tec
execute0_lowered:
.L_overlay_start_1:
0x0: {  	(tag) =	ssettag $0x1  }
0x1: {  	s1 =	rddreg [dreg:$0x0]  }
0x2: {  	s2 =	srdreg.scid;
	s6 =	rddreg [dreg:$0x1]  }
0x3: {  	s0 =	stileid.u32;
	s3 =	rddreg [dreg:$0x2];
	s4 =	simm.s32 $0x0  }
0x4: {  	s14 =	simm.s32 $0x7D;
	s15 =	simm.s32 $0x5000;
	s16 =	simm.s32 $0x1  }
0x5: {  	s17 =	simm.s32 $0x0;
	s5 =	sand.u32 $0x1, s2;
	s9 =	smul.u32 $0x14000, s0  }
0x6: {  	s29 =	sshll.u32 s0, $0x1;
	[smem:$0x7FF] =	sst s4;
	s11 =	smul.u32 $0x50000, s0  }
0x7: {  	s12 =	sshll.u32 s0, $0x6;
	s2 =	sor.u32 s5, s29;
	s8 =	smul.u32 $0x140000, s5  }
0x8: {  	s30 =	ssub.s32 $0x2, s5;
	s5 =	sadd.s32 $0x16C00, s6;
	s12 =	sor.u32 $0x1C02, s12  }
0x9: {  	s7 =	smul.u32 $0x500, s2;
	s2 =	rddreg [dreg:$0x3];
	_ =	strace $0x8000004A  }
0xa: {  	s10 =	sshrl.u32 s30, $0x1;
	s31 =	sshrl.u32 s11, $0x2;
	s11 =	simm.s32 $0x2800  }
0xb: {  	s8 =	sadd.s32 s9, s8;
	s9 =	ssub.s32 s30, s10;
	s13 =	sadd.s32 s31, s3  }
0xc: {  	s10 =	simm.s32 $0x2;
	s7 =	sadd.s32 s7, s6;
	s8 =	sshrl.u32 s8, $0x3  }
0xd: {  	s9 =	smax.u32 s9, $0x1;
	s13 =	sshrl.u32 s13, $0x3;
	s8 =	sadd.s32 s8, s6  }
0xe: {  	s6 =	sadd.s32 $0xCC00, s7;
	s7 =	sadd.s32 $0x2000, s7;
	s8 =	sadd.s32 $0x19400, s8  }
.LBB2_1:
0xf: {  	[tilespmem:s4], [sflag:$0x2] =	stream.linear.gather [hbm4b:s6+s4], $0x2800, $0x38;
	[tilespmem:$0x1D000] =	vst v63  }
0x10: {  	_ =	swait.ge [sflag:s10], $0x2800  }
0x11: {  	[sflag:s10] =	ssyncset.done $0x0  }
0x12: {  	[sflag:s10] =	ssyncadd.s32 $0xFFFFD800  }
0x13: {  	[tilespmem:s11], [sflag:$0x2] =	stream.linear.gather [hbm4b:s7+s4], $0x2800, $0x38;
	[tilespmem:$0x1D000] =	vst v63  }
0x14: {  	_ =	swait.ge [sflag:s10], $0x2800  }
0x15: {  	[sflag:s10] =	ssyncset.done $0x0  }
0x16: {  	[sflag:s10] =	ssyncadd.s32 $0xFFFFD800  }
0x17: {  	[spmem:s13], [sflag:s12] =	dma.local [hbm:s5], $0x2800  }
0x18: {  	_ =	swait.ge [sflag:s10], $0x2800  }
0x19: {  	[sflag:s10] =	ssyncset.done $0x0  }
0x1a: {  	[sflag:s10] =	ssyncadd.s32 $0xFFFFD800  }
0x1b: {  	s18 =	simm.s32 $0x0;
	[bflag:$0x0] =	sbarrier.arrive $0xFFFF  }
0x1c: {  	[tilespmem:s15], [sflag:$0x1] =	stream.indirect.gather [hbm4b:s1+s14], $0x80, s18, s14, $0xb8;
	[tilespmem:$0x1D000] =	vst v63  }
0x1d: {  	_ =	swait.ge [sflag:s16], $0x3E80  }
0x1e: {  	[sflag:s16] =	ssyncset.done $0x0  }
0x1f: {  	s31 =	simm.s32 $0x2800;
	[sflag:s16] =	ssyncadd.s32 $0xFFFFC180  }
0x20: {  	[spmem:s3] =	stream.indirect.scatter.add.f32 [tilespmem:s15], [sflag:$0x2], $0x80, s31, s14, $0xb8;
	[tilespmem:$0x1D000] =	vst v63  }
0x21: {  	_ =	swait.ge [sflag:s10], $0x3E80  }
0x22: {  	s19 =	simm.s32 $0x400;
	s18 =	simm.s32 $0x200;
	[sflag:s10] =	ssyncset.done $0x0  }
.LBB2_2:
0x23: {  	s20 =	sshra.s32 s18, $0x2  }
0x24: {  	[sflag:s10] =	ssyncadd.s32 $0xFFFFC180;
	s18 =	smov.u32 s19;
	s21 =	sadd.s32 $0x200, s19  }
0x25: {  	[tilespmem:s15], [sflag:$0x1] =	stream.indirect.gather [hbm4b:s1+s14], $0x80, s20, s14, $0xb8;
	[tilespmem:$0x1D000] =	vst v63  }
0x26: {  	p0 =	sne.s32 s19, $0x9E00;
	_ =	swait.ge [sflag:s16], $0x3E80  }
.Ltmp0:
0x27: {  	[sflag:s16] =	ssyncset.done $0x0;
	(pc) =	sbr.rel @p0 .LBB2_2-.Ltmp0, $4  }
0x28: {  	s19 =	sadd.s32 $0x2800, s20;
	[sflag:s16] =	ssyncadd.s32 $0xFFFFC180  }
0x29: {  	[spmem:s3] =	stream.indirect.scatter.add.f32 [tilespmem:s15], [sflag:$0x2], $0x80, s19, s14, $0xb8;
	[tilespmem:$0x1D000] =	vst v63  }
0x2a: {  	_ =	swait.ge [sflag:s10], $0x3E80  }
0x2b: {  	s19 =	smov.u32 s21;
	[sflag:s10] =	ssyncset.done $0x0  }
0x2c: {  	s18 =	sshra.s32 s18, $0x2;
	[sflag:s10] =	ssyncadd.s32 $0xFFFFC180  }
0x2d: {  	[tilespmem:s15], [sflag:$0x1] =	stream.indirect.gather [hbm4b:s1+s14], $0x80, s18, s14, $0xb8;
	[tilespmem:$0x1D000] =	vst v63  }
0x2e: {  	_ =	swait.ge [sflag:s16], $0x3E80  }
0x2f: {  	[sflag:s16] =	ssyncset.done $0x0  }
0x30: {  	s18 =	sadd.s32 $0x2800, s18;
	[sflag:s16] =	ssyncadd.s32 $0xFFFFC180  }
0x31: {  	[spmem:s3] =	stream.indirect.scatter.add.f32 [tilespmem:s15], [sflag:$0x2], $0x80, s18, s14, $0xb8;
	[tilespmem:$0x1D000] =	vst v63  }
0x32: {  	_ =	swait.ge [sflag:s10], $0x3E80  }
0x33: {  	s17 =	sadd.s32 $0x1, s17;
	[sflag:s10] =	ssyncset.done $0x0  }
0x34: {  	p0 =	sne.s32 s17, s9;
	[sflag:s10] =	ssyncadd.s32 $0xFFFFC180  }
.Ltmp1:
0x35: {  	[bflag:$0x0] =	sbarrier.arrive $0xFFFF;
	(pc) =	sbr.rel @p0 .LBB2_1-.Ltmp1, $4  }
0x36: {  	[hbm:s8], [sflag:s12] =	dma.local [spmem:s13], $0x2800  }
0x37: {  	_ =	swait.ge [sflag:s10], $0x2800  }
0x38: {  	[sflag:s10] =	ssyncset.done $0x0  }
0x39: {  	[sflag:s10] =	ssyncadd.s32 $0xFFFFD800  }
0x3a: {  	_ =	sfence.sel $0x180000  }
0x3b: {  	[bflag:$0x0] =	sbarrier.arrive $0xFFFF  }
0x3c: {  	p0 =	sne.s32 s0, $0x0;
	_ =	strace $0x9000004A  }
0x3d: {  	s0 =	sadd.s32 @!p0 $0x100000, s2;
	[bflag:$0x2] =	sbarrier.arrive $0xFFFF  }
0x3e: {  	[sflag:s0] =	ssyncadd.tile.s32 @!p0 $0x1;
	_ =	shalt  }
.Lfunc_end2:
_tile_overlayer_lowered:
.L_overlay_start_2:
0x3f: {  	(tag) =	ssettag $0x2  }
0x40: {  	s0 =	rddreg [dreg:$0x0];
	s2 =	stileid.u32  }
0x41: {  	s1 =	rddreg [dreg:$0x1];
	p0 =	sne.s32 s2, $0x0  }
0x42: {  	s3 =	rddreg [dreg:$0x2];
	[bflag:$0x3] =	sbarrier.arrive $0xFFFF;
	s2 =	simm.s32 @!p0 $0x1C02  }
0x43: {  	[timem:s3], [sflag:s2] =	dma.local @!p0 [hbm:s0], s1  }
0x44: {  	s0 =	simm.s32 @!p0 $0x2  }
0x45: {  	_ =	swait.ge @!p0 [sflag:s0], s1  }
0x46: {  	s1 =	ssub.s32 @!p0 $0x0, s1;
	[sflag:s0] =	ssyncset.done @!p0 $0x0  }
0x47: {  	[sflag:s0] =	ssyncadd.s32 @!p0 s1  }
0x48: {  	[bflag:$0x3] =	sbarrier.arrive $0xFFFF  }
0x49: {  	_ =	shalt  }

// kernel: kernel.14.cloned.1.call-start
scs
__scs_entry_jumppad:
0x0: {  	(pc) =	sbr.rel $0x88, $3  }
0x1: {  	(tag) =	ssettag $0x0;
	lr =	simm.s32 $0x1  }
0x2: {  	[smem:$0x3F9D] =	sst lr;
	_ =	strace $0xD0000000  }
0x3: {  	_ = 	snop  }
0x4: {  	_ = 	snop  }
0x5: {  	_ = 	snop  }
0x6: {  	_ = 	snop  }
0x7: {  	_ = 	snop  }
__scs_overlays_trampoline_lowered:
0x8: {  	[smem:$0x3FAC] =	sst s0  }
0x9: {  	[smem:$0x3FAD] =	sst s1  }
0xa: {  	[smem:$0x3FAE] =	sst s2  }
0xb: {  	[smem:$0x3FAF] =	sst s3  }
0xc: {  	[smem:$0x3FB0] =	sst s4  }
0xd: {  	[smem:$0x3FB1] =	sst s5  }
0xe: {  	[smem:$0x3FB2] =	sst s6  }
0xf: {  	[smem:$0x3FB3] =	sst s7  }
0x10: {  	[smem:$0x3FB4] =	sst s8  }
0x11: {  	[smem:$0x3FB5] =	sst s9;
	s0 =	simm.s32 @!p0 $0x0  }
0x12: {  	s1 =	sld [smem:$0x3F9B];
	s0 =	simm.s32 @p0 $0x1  }
0x13: {  	[smem:$0x3FB6] =	sst s0;
	s0 =	simm.s32 @!p1 $0x0  }
0x14: {  	s2 =	sld [smem:$0x3F9A];
	s0 =	simm.s32 @p1 $0x1  }
0x15: {  	[smem:$0x3FB7] =	sst s0;
	s0 =	simm.s32 @!p2 $0x0  }
0x16: {  	s3 =	sld [smem:$0x3FDB];
	s0 =	simm.s32 @p2 $0x1  }
0x17: {  	s4 =	simm.s32 $0x1BF5;
	[smem:$0x3FB9] =	sst s0  }
0x18: {  	s0 =	sld [smem:$0x3F9C];
	_ =	swait.ge [sflag:s4], $0x0  }
0x19: {  	s7 =	sld [smem:$0x3F9D]  }
0x1a: {  	s8 =	sadd.s32 $0xFFFFE003, lr  }
0x1b: {  	s9 =	sadd.s32 $0xFFFFFEF7, lr;
	s5 =	simm.s32 $0xFFFFFFFF;
	p2 =	slt.u32 s8, $0xFFFFF086  }
0x1c: {  	p1 =	slt.u32 s9, $0xF7A;
	s5 =	simm.s32 @!p2 $0x0  }
0x1d: {  	s5 =	simm.s32 @p1 $0x1;
	p0 =	seq.s32 s7, s2  }
0x1e: {  	s7 =	smul.u32 @!p0 $0xF7A, s2;
	p2 =	seq.s32 @!p0 s5, $0x0  }
0x1f: {  	s9 =	smul.u32 $0xF7A, s1;
	s8 =	simm.s32 @!p0 $0x1BF5;
	p2 =	por !p2, p0  }
0x20: {  	[sflag:s8] =	ssyncset.s32 @!p0 $0xFFFFF086;
	s6 =	sadd.s32 @!p0 s3, s7;
	s7 =	simm.s32 @!p0 $0x108  }
0x21: {  	s3 =	sadd.s32 s3, s9;
	s6 =	sadd.s32 @!p0 $0x88, s6;
	s7 =	simm.s32 @p2 $0x1082  }
0x22: {  	[simem:s7], [sflag:s8] =	dma.local @!p0 [hbm:s6], $0xF7A  }
0x23: {  	s9 =	sor.u32 $0xD0000000, s2;
	s6 =	simm.s32 $0x108;
	_ =	swait.ge @!p0 [sflag:s8], $0x0  }
0x24: {  	s3 =	sadd.s32 $0x88, s3;
	s6 =	simm.s32 @!p1 $0x1082;
	[sflag:s4] =	ssyncset.s32 $0xFFFFF086  }
0x25: {  	[simem:s6], [sflag:s4] =	dma.local [hbm:s3], $0xF7A  }
0x26: {  	[smem:$0x3F9D] =	sst s1;
	(tag) =	ssettag s2;
	_ =	strace s9  }
0x27: {  	s1 =	sld [smem:$0x3FAD]  }
0x28: {  	s2 =	sld [smem:$0x3FAE]  }
0x29: {  	s4 =	sld [smem:$0x3FB0]  }
0x2a: {  	p0 =	seq.s32 s5, $0x0;
	s5 =	sld [smem:$0x3FB1]  }
0x2b: {  	s6 =	sld [smem:$0x3FB2]  }
0x2c: {  	s7 =	sld [smem:$0x3FB3]  }
0x2d: {  	s3 =	simm.s32 $0x108;
	s8 =	sld [smem:$0x3FB4]  }
0x2e: {  	s3 =	simm.s32 @!p0 $0x1082;
	s9 =	sld [smem:$0x3FB5]  }
0x2f: {  	lr =	sadd.s32 s0, s3;
	s0 =	sld [smem:$0x3FAC]  }
0x30: {  	s3 =	sld [smem:$0x3FAF]  }
0x31: {  	[smem:$0x3FB8] =	sst s10  }
0x32: {  	s10 =	sld [smem:$0x3FB6];
	_ =	sdelay $0x3  }
0x33: {  	p0 =	seq.s32 s10, $0x1;
	s10 =	sld [smem:$0x3FB8];
	_ =	sdelay $0x3  }
0x34: {  	[smem:$0x3FB8] =	sst s10  }
0x35: {  	s10 =	sld [smem:$0x3FB7];
	_ =	sdelay $0x3  }
0x36: {  	p1 =	seq.s32 s10, $0x1;
	s10 =	sld [smem:$0x3FB8];
	_ =	sdelay $0x3  }
0x37: {  	[smem:$0x3FB8] =	sst s10  }
0x38: {  	s10 =	sld [smem:$0x3FB9]  }
0x39: {  	_ = 	snop;
	(pc) =	sbr.ind lr, $3  }
0x3a: {  	_ = 	snop  }
0x3b: {  	_ = 	snop  }
0x3c: {  	p2 =	seq.s32 s10, $0x1;
	s10 =	sld [smem:$0x3FB8]  }
0x3d: {  	_ =	shalt  }
0x3e: {  	_ =	shalt  }
0x3f: {  	_ =	shalt  }
0x40: {  	_ =	shalt  }
0x41: {  	_ =	shalt  }
0x42: {  	_ =	shalt  }
0x43: {  	_ =	shalt  }
0x44: {  	_ =	shalt  }
0x45: {  	_ =	shalt  }
0x46: {  	_ =	shalt  }
0x47: {  	_ =	shalt  }
0x48: {  	_ =	shalt  }
0x49: {  	_ =	shalt  }
0x4a: {  	_ =	shalt  }
0x4b: {  	_ =	shalt  }
0x4c: {  	_ =	shalt  }
0x4d: {  	_ =	shalt  }
0x4e: {  	_ =	shalt  }
0x4f: {  	_ =	shalt  }
0x50: {  	_ =	shalt  }
0x51: {  	_ =	shalt  }
0x52: {  	_ =	shalt  }
0x53: {  	_ =	shalt  }
0x54: {  	_ =	shalt  }
0x55: {  	_ =	shalt  }
0x56: {  	_ =	shalt  }
0x57: {  	_ =	shalt  }
0x58: {  	_ =	shalt  }
0x59: {  	_ =	shalt  }
0x5a: {  	_ =	shalt  }
0x5b: {  	_ =	shalt  }
0x5c: {  	_ =	shalt  }
0x5d: {  	_ =	shalt  }
0x5e: {  	_ =	shalt  }
0x5f: {  	_ =	shalt  }
0x60: {  	_ =	shalt  }
0x61: {  	_ =	shalt  }
0x62: {  	_ =	shalt  }
0x63: {  	_ =	shalt  }
0x64: {  	_ =	shalt  }
0x65: {  	_ =	shalt  }
0x66: {  	_ =	shalt  }
0x67: {  	_ =	shalt  }
0x68: {  	_ =	shalt  }
0x69: {  	_ =	shalt  }
0x6a: {  	_ =	shalt  }
0x6b: {  	_ =	shalt  }
0x6c: {  	_ =	shalt  }
0x6d: {  	_ =	shalt  }
0x6e: {  	_ =	shalt  }
0x6f: {  	_ =	shalt  }
0x70: {  	_ =	shalt  }
0x71: {  	_ =	shalt  }
0x72: {  	_ =	shalt  }
0x73: {  	_ =	shalt  }
0x74: {  	_ =	shalt  }
0x75: {  	_ =	shalt  }
0x76: {  	_ =	shalt  }
0x77: {  	_ =	shalt  }
0x78: {  	_ =	shalt  }
0x79: {  	_ =	shalt  }
0x7a: {  	_ =	shalt  }
0x7b: {  	_ =	shalt  }
0x7c: {  	_ =	shalt  }
0x7d: {  	_ =	shalt  }
0x7e: {  	_ =	shalt  }
0x7f: {  	_ =	shalt  }
0x80: {  	_ =	shalt  }
0x81: {  	_ =	shalt  }
0x82: {  	_ =	shalt  }
0x83: {  	_ =	shalt  }
0x84: {  	_ =	shalt  }
0x85: {  	_ =	shalt  }
0x86: {  	_ =	shalt  }
0x87: {  	_ =	shalt  }
.Lfunc_end0:
.L_simem_size_0:
called_computation.2_lowered:
.L_overlay_start_0:
0x88: {  	s2 =	sld [smem:$0x3FD9]  }
0x89: {  	s3 =	sld [smem:$0x3FFE];
	_ =	sdelay $0x1  }
0x8a: {  	s1 =	srdreg.scid  }
0x8b: {  	s0 =	sand.u32 $0x1, s1  }
0x8c: {  	s17 =	sshll.u32 s0, $0xA;
	s2 =	sadd.s32 s3, s2  }
0x8d: {  	s2 =	sadd.s32 s2, s17  }
0x8e: {  	[smem:$0x3FC4] =	sst s2  }
0x8f: {  	_ = 	snop  }
0x90: {  	s2 =	sld [smem:$0x3FD0];
	(tm) =	ssettm $0x1  }
0x91: {  	s18 =	sld [smem:$0x3FFB];
	_ =	sdelay $0x3  }
0x92: {  	_ =	strace s18  }
0x93: {  	s3 =	sld [smem:$0x3FFC];
	_ =	sdelay $0x3  }
0x94: {  	_ =	strace s3  }
0x95: {  	s3 =	sld [smem:$0x3FFD];
	_ =	sdelay $0x3  }
0x96: {  	_ =	strace s3  }
0x97: {  	_ =	strace $0x8FFFFFFF  }
0x98: {  	s19 =	sld [smem:$0x3FDB];
	_ =	sdelay $0x1  }
0x99: {  	s4 =	simm.s32 $_scs_section_size  }
0x9a: {  	s5 =	simm.s32 $_size__tile_overlayer_lowered;
	s6 =	simm.s32 $_tile_overlayer_lowered  }
0x9b: {  	s22 =	simm.s32 $0x1BFF;
	s21 =	sshll.u32 s6, $0x1;
	s3 =	sadd.s32 s4, s19  }
0x9c: {  	s7 =	simm.s32 $0x0;
	s20 =	sshll.u32 s5, $0x1;
	s5 =	sadd.s32 s21, s3  }
0x9d: {  	[timem:s7], [sflag:s22] =	dma.local [hbm:s5], s20  }
0x9e: {  	_ =	swait.ge [sflag:s22], s20  }
0x9f: {  	s4 =	ssub.s32 $0x0, s20;
	[sflag:s22] =	ssyncset.done $0x0  }
0xa0: {  	[sflag:s22] =	ssyncadd.s32 s4;
	_ =	sdelay $0x1  }
0xa1: {  	s23 =	simm.s32 $0x1B8B  }
0xa2: {  	_ =	swait.ge [sflag:s23], $0x1  }
0xa3: {  	[sflag:s23] =	ssyncset.done $0x0  }
0xa4: {  	s25 =	simm.s32 $0x1B8E;
	s24 =	sld [smem:$0x3FFE];
	[sflag:s23] =	ssyncadd.s32 $0xFFFFFFFF  }
0xa5: {  	s26 =	simm.s32 $execute0_lowered;
	[smem:$0x3FD2] =	sst s25  }
0xa6: {  	s5 =	sshll.u32 s26, $0x1;
	_ =	strace $0x8000004C;
	[dreg:$0x1] =	wrdreg $0xFFFFFFFF  }
0xa7: {  	s28 =	simm.s32 $_size_execute0_lowered;
	s3 =	sadd.s32 s3, s5;
	[dreg:$0x0] =	wrdreg $0x0  }
0xa8: {  	s5 =	sshll.u32 s28, $0x1;
	[dreg:$0x2] =	wrdreg s3  }
0xa9: {  	[dreg:$0x3] =	wrdreg s5  }
0xaa: {  	[dreg:$0x4] =	wrdreg $0xC0  }
0xab: {  	_ =	task [dreg:s7], $0x5FFFF  }
0xac: {  	[dreg:$0x1] =	wrdreg $0xFFFFFFFF  }
0xad: {  	[dreg:$0x0] =	wrdreg $0x60  }
0xae: {  	[dreg:$0x2] =	wrdreg s2  }
0xaf: {  	[dreg:$0x3] =	wrdreg s24  }
0xb0: {  	[dreg:$0x4] =	wrdreg $0x90000  }
0xb1: {  	[dreg:$0x5] =	wrdreg $0x9  }
0xb2: {  	_ =	task.clear_ibuf [dreg:s7], $0x6FFFF;
	_ =	strace $0x9000004C  }
0xb3: {  	s29 =	simm.s32 $0x9;
	_ =	strace $0x8000004E  }
0xb4: {  	_ =	swait.ge [sflag:s29], $0x1  }
0xb5: {  	[sflag:s29] =	ssyncadd.s32 $0xFFFFFFFF  }
0xb6: {  	_ =	strace $0x9000004E  }
0xb7: {  	_ =	sfence  }
0xb8: {  	s30 =	sld [smem:$0x0];
	_ =	sdelay $0x2  }
0xb9: {  	s31 =	sshll.u32 s1, $0xD;
	s1 =	sshrl.u32 s1, $0x2  }
0xba: {  	s3 =	sand.u32 $0x4000, s31;
	s1 =	sadd.s32 s1, s30  }
0xbb: {  	s0 =	sor.u32 s3, s0;
	s1 =	sshll.u32 s1, $0x11  }
0xbc: {  	s0 =	sor.u32 s1, s0  }
0xbd: {  	s0 =	sadd.s32 $0x8F2B, s0  }
0xbe: {  	[sflag:s0] =	ssyncadd.remote.s32 $0x1  }
0xbf: {  	_ =	sfence.sel $0xFFFF  }
0xc0: {  	[dreg:$0x0] =	wrdreg $0xFFFFFFFF;
	(pc) =	sbr.abs _section_cstart, $3  }
0xc1: {  	[dreg:$0x1] =	wrdreg $0xFFFFFFFF  }
0xc2: {  	_ =	task.clear_ibuf [dreg:s7], $0x2FFFF;
	_ =	strace $0x9FFFFFFF  }
0xc3: {  	(tm) =	ssettm $0x7FFFFFFF  }
tec
execute0_lowered:
.L_overlay_start_1:
0x0: {  	(tag) =	ssettag $0x1  }
0x1: {  	s1 =	rddreg [dreg:$0x0]  }
0x2: {  	s2 =	srdreg.scid;
	s6 =	rddreg [dreg:$0x1]  }
0x3: {  	s0 =	stileid.u32;
	s3 =	rddreg [dreg:$0x2];
	s4 =	simm.s32 $0x0  }
0x4: {  	s14 =	simm.s32 $0x7D;
	s15 =	simm.s32 $0x5000;
	s16 =	simm.s32 $0x1  }
0x5: {  	s17 =	simm.s32 $0x0;
	s5 =	sand.u32 $0x1, s2;
	s9 =	smul.u32 $0x14000, s0  }
0x6: {  	s29 =	sshll.u32 s0, $0x1;
	[smem:$0x7FF] =	sst s4;
	s11 =	smul.u32 $0x50000, s0  }
0x7: {  	s12 =	sshll.u32 s0, $0x6;
	s2 =	sor.u32 s5, s29;
	s8 =	smul.u32 $0x140000, s5  }
0x8: {  	s30 =	ssub.s32 $0x2, s5;
	s5 =	sadd.s32 $0x16C00, s6;
	s12 =	sor.u32 $0x1C02, s12  }
0x9: {  	s7 =	smul.u32 $0x500, s2;
	s2 =	rddreg [dreg:$0x3];
	_ =	strace $0x8000004D  }
0xa: {  	s10 =	sshrl.u32 s30, $0x1;
	s31 =	sshrl.u32 s11, $0x2;
	s11 =	simm.s32 $0x2800  }
0xb: {  	s8 =	sadd.s32 s9, s8;
	s9 =	ssub.s32 s30, s10;
	s13 =	sadd.s32 s31, s3  }
0xc: {  	s10 =	simm.s32 $0x2;
	s7 =	sadd.s32 s7, s6;
	s8 =	sshrl.u32 s8, $0x3  }
0xd: {  	s9 =	smax.u32 s9, $0x1;
	s13 =	sshrl.u32 s13, $0x3;
	s8 =	sadd.s32 s8, s6  }
0xe: {  	s6 =	sadd.s32 $0xCC00, s7;
	s7 =	sadd.s32 $0x2000, s7;
	s8 =	sadd.s32 $0x19400, s8  }
.LBB2_1:
0xf: {  	[tilespmem:s4], [sflag:$0x2] =	stream.linear.gather [hbm4b:s6+s4], $0x2800, $0x38;
	[tilespmem:$0x1D000] =	vst v63  }
0x10: {  	_ =	swait.ge [sflag:s10], $0x2800  }
0x11: {  	[sflag:s10] =	ssyncset.done $0x0  }
0x12: {  	[sflag:s10] =	ssyncadd.s32 $0xFFFFD800  }
0x13: {  	[tilespmem:s11], [sflag:$0x2] =	stream.linear.gather [hbm4b:s7+s4], $0x2800, $0x38;
	[tilespmem:$0x1D000] =	vst v63  }
0x14: {  	_ =	swait.ge [sflag:s10], $0x2800  }
0x15: {  	[sflag:s10] =	ssyncset.done $0x0  }
0x16: {  	[sflag:s10] =	ssyncadd.s32 $0xFFFFD800  }
0x17: {  	[spmem:s13], [sflag:s12] =	dma.local [hbm:s5], $0x2800  }
0x18: {  	_ =	swait.ge [sflag:s10], $0x2800  }
0x19: {  	[sflag:s10] =	ssyncset.done $0x0  }
0x1a: {  	[sflag:s10] =	ssyncadd.s32 $0xFFFFD800  }
0x1b: {  	s18 =	simm.s32 $0x0;
	[bflag:$0x0] =	sbarrier.arrive $0xFFFF  }
0x1c: {  	[tilespmem:s15], [sflag:$0x1] =	stream.indirect.gather [hbm4b:s1+s14], $0x80, s18, s14, $0xb8;
	[tilespmem:$0x1D000] =	vst v63  }
0x1d: {  	_ =	swait.ge [sflag:s16], $0x3E80  }
0x1e: {  	[sflag:s16] =	ssyncset.done $0x0  }
0x1f: {  	s31 =	simm.s32 $0x2800;
	[sflag:s16] =	ssyncadd.s32 $0xFFFFC180  }
0x20: {  	[spmem:s3] =	stream.indirect.scatter.add.f32 [tilespmem:s15], [sflag:$0x2], $0x80, s31, s14, $0xb8;
	[tilespmem:$0x1D000] =	vst v63  }
0x21: {  	_ =	swait.ge [sflag:s10], $0x3E80  }
0x22: {  	s19 =	simm.s32 $0x400;
	s18 =	simm.s32 $0x200;
	[sflag:s10] =	ssyncset.done $0x0  }
.LBB2_2:
0x23: {  	s20 =	sshra.s32 s18, $0x2  }
0x24: {  	[sflag:s10] =	ssyncadd.s32 $0xFFFFC180;
	s18 =	smov.u32 s19;
	s21 =	sadd.s32 $0x200, s19  }
0x25: {  	[tilespmem:s15], [sflag:$0x1] =	stream.indirect.gather [hbm4b:s1+s14], $0x80, s20, s14, $0xb8;
	[tilespmem:$0x1D000] =	vst v63  }
0x26: {  	p0 =	sne.s32 s19, $0x9E00;
	_ =	swait.ge [sflag:s16], $0x3E80  }
.Ltmp0:
0x27: {  	[sflag:s16] =	ssyncset.done $0x0;
	(pc) =	sbr.rel @p0 .LBB2_2-.Ltmp0, $4  }
0x28: {  	s19 =	sadd.s32 $0x2800, s20;
	[sflag:s16] =	ssyncadd.s32 $0xFFFFC180  }
0x29: {  	[spmem:s3] =	stream.indirect.scatter.add.f32 [tilespmem:s15], [sflag:$0x2], $0x80, s19, s14, $0xb8;
	[tilespmem:$0x1D000] =	vst v63  }
0x2a: {  	_ =	swait.ge [sflag:s10], $0x3E80  }
0x2b: {  	s19 =	smov.u32 s21;
	[sflag:s10] =	ssyncset.done $0x0  }
0x2c: {  	s18 =	sshra.s32 s18, $0x2;
	[sflag:s10] =	ssyncadd.s32 $0xFFFFC180  }
0x2d: {  	[tilespmem:s15], [sflag:$0x1] =	stream.indirect.gather [hbm4b:s1+s14], $0x80, s18, s14, $0xb8;
	[tilespmem:$0x1D000] =	vst v63  }
0x2e: {  	_ =	swait.ge [sflag:s16], $0x3E80  }
0x2f: {  	[sflag:s16] =	ssyncset.done $0x0  }
0x30: {  	s18 =	sadd.s32 $0x2800, s18;
	[sflag:s16] =	ssyncadd.s32 $0xFFFFC180  }
0x31: {  	[spmem:s3] =	stream.indirect.scatter.add.f32 [tilespmem:s15], [sflag:$0x2], $0x80, s18, s14, $0xb8;
	[tilespmem:$0x1D000] =	vst v63  }
0x32: {  	_ =	swait.ge [sflag:s10], $0x3E80  }
0x33: {  	s17 =	sadd.s32 $0x1, s17;
	[sflag:s10] =	ssyncset.done $0x0  }
0x34: {  	p0 =	sne.s32 s17, s9;
	[sflag:s10] =	ssyncadd.s32 $0xFFFFC180  }
.Ltmp1:
0x35: {  	[bflag:$0x0] =	sbarrier.arrive $0xFFFF;
	(pc) =	sbr.rel @p0 .LBB2_1-.Ltmp1, $4  }
0x36: {  	[hbm:s8], [sflag:s12] =	dma.local [spmem:s13], $0x2800  }
0x37: {  	_ =	swait.ge [sflag:s10], $0x2800  }
0x38: {  	[sflag:s10] =	ssyncset.done $0x0  }
0x39: {  	[sflag:s10] =	ssyncadd.s32 $0xFFFFD800  }
0x3a: {  	_ =	sfence.sel $0x180000  }
0x3b: {  	[bflag:$0x0] =	sbarrier.arrive $0xFFFF  }
0x3c: {  	p0 =	sne.s32 s0, $0x0;
	_ =	strace $0x9000004D  }
0x3d: {  	s0 =	sadd.s32 @!p0 $0x100000, s2;
	[bflag:$0x2] =	sbarrier.arrive $0xFFFF  }
0x3e: {  	[sflag:s0] =	ssyncadd.tile.s32 @!p0 $0x1;
	_ =	shalt  }
.Lfunc_end2:
_tile_overlayer_lowered:
.L_overlay_start_2:
0x3f: {  	(tag) =	ssettag $0x2  }
0x40: {  	s0 =	rddreg [dreg:$0x0];
	s2 =	stileid.u32  }
0x41: {  	s1 =	rddreg [dreg:$0x1];
	p0 =	sne.s32 s2, $0x0  }
0x42: {  	s3 =	rddreg [dreg:$0x2];
	[bflag:$0x3] =	sbarrier.arrive $0xFFFF;
	s2 =	simm.s32 @!p0 $0x1C02  }
0x43: {  	[timem:s3], [sflag:s2] =	dma.local @!p0 [hbm:s0], s1  }
0x44: {  	s0 =	simm.s32 @!p0 $0x2  }
0x45: {  	_ =	swait.ge @!p0 [sflag:s0], s1  }
0x46: {  	s1 =	ssub.s32 @!p0 $0x0, s1;
	[sflag:s0] =	ssyncset.done @!p0 $0x0  }
0x47: {  	[sflag:s0] =	ssyncadd.s32 @!p0 s1  }
0x48: {  	[bflag:$0x3] =	sbarrier.arrive $0xFFFF  }
0x49: {  	_ =	shalt  }

// kernel: kernel.8.cloned.1.call-start
scs
__scs_entry_jumppad:
0x0: {  	(pc) =	sbr.rel $0x88, $3  }
0x1: {  	(tag) =	ssettag $0x0;
	lr =	simm.s32 $0x1  }
0x2: {  	[smem:$0x3F9D] =	sst lr;
	_ =	strace $0xD0000000  }
0x3: {  	_ = 	snop  }
0x4: {  	_ = 	snop  }
0x5: {  	_ = 	snop  }
0x6: {  	_ = 	snop  }
0x7: {  	_ = 	snop  }
__scs_overlays_trampoline_lowered:
0x8: {  	[smem:$0x3FAC] =	sst s0  }
0x9: {  	[smem:$0x3FAD] =	sst s1  }
0xa: {  	[smem:$0x3FAE] =	sst s2  }
0xb: {  	[smem:$0x3FAF] =	sst s3  }
0xc: {  	[smem:$0x3FB0] =	sst s4  }
0xd: {  	[smem:$0x3FB1] =	sst s5  }
0xe: {  	[smem:$0x3FB2] =	sst s6  }
0xf: {  	[smem:$0x3FB3] =	sst s7  }
0x10: {  	[smem:$0x3FB4] =	sst s8  }
0x11: {  	[smem:$0x3FB5] =	sst s9;
	s0 =	simm.s32 @!p0 $0x0  }
0x12: {  	s1 =	sld [smem:$0x3F9B];
	s0 =	simm.s32 @p0 $0x1  }
0x13: {  	[smem:$0x3FB6] =	sst s0;
	s0 =	simm.s32 @!p1 $0x0  }
0x14: {  	s2 =	sld [smem:$0x3F9A];
	s0 =	simm.s32 @p1 $0x1  }
0x15: {  	[smem:$0x3FB7] =	sst s0;
	s0 =	simm.s32 @!p2 $0x0  }
0x16: {  	s3 =	sld [smem:$0x3FDB];
	s0 =	simm.s32 @p2 $0x1  }
0x17: {  	s4 =	simm.s32 $0x1BF5;
	[smem:$0x3FB9] =	sst s0  }
0x18: {  	s0 =	sld [smem:$0x3F9C];
	_ =	swait.ge [sflag:s4], $0x0  }
0x19: {  	s7 =	sld [smem:$0x3F9D]  }
0x1a: {  	s8 =	sadd.s32 $0xFFFFE003, lr  }
0x1b: {  	s9 =	sadd.s32 $0xFFFFFEF7, lr;
	s5 =	simm.s32 $0xFFFFFFFF;
	p2 =	slt.u32 s8, $0xFFFFF086  }
0x1c: {  	p1 =	slt.u32 s9, $0xF7A;
	s5 =	simm.s32 @!p2 $0x0  }
0x1d: {  	s5 =	simm.s32 @p1 $0x1;
	p0 =	seq.s32 s7, s2  }
0x1e: {  	s7 =	smul.u32 @!p0 $0xF7A, s2;
	p2 =	seq.s32 @!p0 s5, $0x0  }
0x1f: {  	s9 =	smul.u32 $0xF7A, s1;
	s8 =	simm.s32 @!p0 $0x1BF5;
	p2 =	por !p2, p0  }
0x20: {  	[sflag:s8] =	ssyncset.s32 @!p0 $0xFFFFF086;
	s6 =	sadd.s32 @!p0 s3, s7;
	s7 =	simm.s32 @!p0 $0x108  }
0x21: {  	s3 =	sadd.s32 s3, s9;
	s6 =	sadd.s32 @!p0 $0x88, s6;
	s7 =	simm.s32 @p2 $0x1082  }
0x22: {  	[simem:s7], [sflag:s8] =	dma.local @!p0 [hbm:s6], $0xF7A  }
0x23: {  	s9 =	sor.u32 $0xD0000000, s2;
	s6 =	simm.s32 $0x108;
	_ =	swait.ge @!p0 [sflag:s8], $0x0  }
0x24: {  	s3 =	sadd.s32 $0x88, s3;
	s6 =	simm.s32 @!p1 $0x1082;
	[sflag:s4] =	ssyncset.s32 $0xFFFFF086  }
0x25: {  	[simem:s6], [sflag:s4] =	dma.local [hbm:s3], $0xF7A  }
0x26: {  	[smem:$0x3F9D] =	sst s1;
	(tag) =	ssettag s2;
	_ =	strace s9  }
0x27: {  	s1 =	sld [smem:$0x3FAD]  }
0x28: {  	s2 =	sld [smem:$0x3FAE]  }
0x29: {  	s4 =	sld [smem:$0x3FB0]  }
0x2a: {  	p0 =	seq.s32 s5, $0x0;
	s5 =	sld [smem:$0x3FB1]  }
0x2b: {  	s6 =	sld [smem:$0x3FB2]  }
0x2c: {  	s7 =	sld [smem:$0x3FB3]  }
0x2d: {  	s3 =	simm.s32 $0x108;
	s8 =	sld [smem:$0x3FB4]  }
0x2e: {  	s3 =	simm.s32 @!p0 $0x1082;
	s9 =	sld [smem:$0x3FB5]  }
0x2f: {  	lr =	sadd.s32 s0, s3;
	s0 =	sld [smem:$0x3FAC]  }
0x30: {  	s3 =	sld [smem:$0x3FAF]  }
0x31: {  	[smem:$0x3FB8] =	sst s10  }
0x32: {  	s10 =	sld [smem:$0x3FB6];
	_ =	sdelay $0x3  }
0x33: {  	p0 =	seq.s32 s10, $0x1;
	s10 =	sld [smem:$0x3FB8];
	_ =	sdelay $0x3  }
0x34: {  	[smem:$0x3FB8] =	sst s10  }
0x35: {  	s10 =	sld [smem:$0x3FB7];
	_ =	sdelay $0x3  }
0x36: {  	p1 =	seq.s32 s10, $0x1;
	s10 =	sld [smem:$0x3FB8];
	_ =	sdelay $0x3  }
0x37: {  	[smem:$0x3FB8] =	sst s10  }
0x38: {  	s10 =	sld [smem:$0x3FB9]  }
0x39: {  	_ = 	snop;
	(pc) =	sbr.ind lr, $3  }
0x3a: {  	_ = 	snop  }
0x3b: {  	_ = 	snop  }
0x3c: {  	p2 =	seq.s32 s10, $0x1;
	s10 =	sld [smem:$0x3FB8]  }
0x3d: {  	_ =	shalt  }
0x3e: {  	_ =	shalt  }
0x3f: {  	_ =	shalt  }
0x40: {  	_ =	shalt  }
0x41: {  	_ =	shalt  }
0x42: {  	_ =	shalt  }
0x43: {  	_ =	shalt  }
0x44: {  	_ =	shalt  }
0x45: {  	_ =	shalt  }
0x46: {  	_ =	shalt  }
0x47: {  	_ =	shalt  }
0x48: {  	_ =	shalt  }
0x49: {  	_ =	shalt  }
0x4a: {  	_ =	shalt  }
0x4b: {  	_ =	shalt  }
0x4c: {  	_ =	shalt  }
0x4d: {  	_ =	shalt  }
0x4e: {  	_ =	shalt  }
0x4f: {  	_ =	shalt  }
0x50: {  	_ =	shalt  }
0x51: {  	_ =	shalt  }
0x52: {  	_ =	shalt  }
0x53: {  	_ =	shalt  }
0x54: {  	_ =	shalt  }
0x55: {  	_ =	shalt  }
0x56: {  	_ =	shalt  }
0x57: {  	_ =	shalt  }
0x58: {  	_ =	shalt  }
0x59: {  	_ =	shalt  }
0x5a: {  	_ =	shalt  }
0x5b: {  	_ =	shalt  }
0x5c: {  	_ =	shalt  }
0x5d: {  	_ =	shalt  }
0x5e: {  	_ =	shalt  }
0x5f: {  	_ =	shalt  }
0x60: {  	_ =	shalt  }
0x61: {  	_ =	shalt  }
0x62: {  	_ =	shalt  }
0x63: {  	_ =	shalt  }
0x64: {  	_ =	shalt  }
0x65: {  	_ =	shalt  }
0x66: {  	_ =	shalt  }
0x67: {  	_ =	shalt  }
0x68: {  	_ =	shalt  }
0x69: {  	_ =	shalt  }
0x6a: {  	_ =	shalt  }
0x6b: {  	_ =	shalt  }
0x6c: {  	_ =	shalt  }
0x6d: {  	_ =	shalt  }
0x6e: {  	_ =	shalt  }
0x6f: {  	_ =	shalt  }
0x70: {  	_ =	shalt  }
0x71: {  	_ =	shalt  }
0x72: {  	_ =	shalt  }
0x73: {  	_ =	shalt  }
0x74: {  	_ =	shalt  }
0x75: {  	_ =	shalt  }
0x76: {  	_ =	shalt  }
0x77: {  	_ =	shalt  }
0x78: {  	_ =	shalt  }
0x79: {  	_ =	shalt  }
0x7a: {  	_ =	shalt  }
0x7b: {  	_ =	shalt  }
0x7c: {  	_ =	shalt  }
0x7d: {  	_ =	shalt  }
0x7e: {  	_ =	shalt  }
0x7f: {  	_ =	shalt  }
0x80: {  	_ =	shalt  }
0x81: {  	_ =	shalt  }
0x82: {  	_ =	shalt  }
0x83: {  	_ =	shalt  }
0x84: {  	_ =	shalt  }
0x85: {  	_ =	shalt  }
0x86: {  	_ =	shalt  }
0x87: {  	_ =	shalt  }
.Lfunc_end0:
.L_simem_size_0:
called_computation_lowered:
.L_overlay_start_0:
0x88: {  	s2 =	sld [smem:$0x3FD9]  }
0x89: {  	s3 =	sld [smem:$0x3FFE];
	_ =	sdelay $0x1  }
0x8a: {  	s1 =	srdreg.scid  }
0x8b: {  	s0 =	sand.u32 $0x1, s1  }
0x8c: {  	s17 =	sshll.u32 s0, $0xA;
	s2 =	sadd.s32 s3, s2  }
0x8d: {  	s2 =	sadd.s32 s2, s17  }
0x8e: {  	[smem:$0x3FC4] =	sst s2  }
0x8f: {  	_ = 	snop  }
0x90: {  	s2 =	sld [smem:$0x3FD0];
	(tm) =	ssettm $0x1  }
0x91: {  	s18 =	sld [smem:$0x3FFB];
	_ =	sdelay $0x3  }
0x92: {  	_ =	strace s18  }
0x93: {  	s3 =	sld [smem:$0x3FFC];
	_ =	sdelay $0x3  }
0x94: {  	_ =	strace s3  }
0x95: {  	s3 =	sld [smem:$0x3FFD];
	_ =	sdelay $0x3  }
0x96: {  	_ =	strace s3  }
0x97: {  	_ =	strace $0x8FFFFFFF  }
0x98: {  	s19 =	sld [smem:$0x3FDB];
	_ =	sdelay $0x1  }
0x99: {  	s4 =	simm.s32 $_scs_section_size  }
0x9a: {  	s5 =	simm.s32 $_size__tile_overlayer_lowered;
	s6 =	simm.s32 $_tile_overlayer_lowered  }
0x9b: {  	s22 =	simm.s32 $0x1BFF;
	s21 =	sshll.u32 s6, $0x1;
	s3 =	sadd.s32 s4, s19  }
0x9c: {  	s7 =	simm.s32 $0x0;
	s20 =	sshll.u32 s5, $0x1;
	s5 =	sadd.s32 s21, s3  }
0x9d: {  	[timem:s7], [sflag:s22] =	dma.local [hbm:s5], s20  }
0x9e: {  	_ =	swait.ge [sflag:s22], s20  }
0x9f: {  	s4 =	ssub.s32 $0x0, s20;
	[sflag:s22] =	ssyncset.done $0x0  }
0xa0: {  	[sflag:s22] =	ssyncadd.s32 s4;
	_ =	sdelay $0x1  }
0xa1: {  	s23 =	simm.s32 $0x1B8B  }
0xa2: {  	_ =	swait.ge [sflag:s23], $0x1  }
0xa3: {  	[sflag:s23] =	ssyncset.done $0x0  }
0xa4: {  	s25 =	simm.s32 $0x1B8E;
	s24 =	sld [smem:$0x3FFE];
	[sflag:s23] =	ssyncadd.s32 $0xFFFFFFFF  }
0xa5: {  	s26 =	simm.s32 $execute0_lowered;
	[smem:$0x3FD2] =	sst s25  }
0xa6: {  	s5 =	sshll.u32 s26, $0x1;
	_ =	strace $0x80000046;
	[dreg:$0x1] =	wrdreg $0xFFFFFFFF  }
0xa7: {  	s28 =	simm.s32 $_size_execute0_lowered;
	s3 =	sadd.s32 s3, s5;
	[dreg:$0x0] =	wrdreg $0x0  }
0xa8: {  	s5 =	sshll.u32 s28, $0x1;
	[dreg:$0x2] =	wrdreg s3  }
0xa9: {  	[dreg:$0x3] =	wrdreg s5  }
0xaa: {  	[dreg:$0x4] =	wrdreg $0xC0  }
0xab: {  	_ =	task [dreg:s7], $0x5FFFF  }
0xac: {  	[dreg:$0x1] =	wrdreg $0xFFFFFFFF  }
0xad: {  	[dreg:$0x0] =	wrdreg $0x60  }
0xae: {  	[dreg:$0x2] =	wrdreg s24  }
0xaf: {  	[dreg:$0x3] =	wrdreg s2  }
0xb0: {  	[dreg:$0x4] =	wrdreg $0x28800  }
0xb1: {  	[dreg:$0x5] =	wrdreg $0x9  }
0xb2: {  	_ =	task.clear_ibuf [dreg:s7], $0x6FFFF;
	_ =	strace $0x90000046  }
0xb3: {  	s29 =	simm.s32 $0x9;
	_ =	strace $0x80000048  }
0xb4: {  	_ =	swait.ge [sflag:s29], $0x1  }
0xb5: {  	[sflag:s29] =	ssyncadd.s32 $0xFFFFFFFF  }
0xb6: {  	_ =	strace $0x90000048  }
0xb7: {  	_ =	sfence  }
0xb8: {  	s30 =	sld [smem:$0x0];
	_ =	sdelay $0x2  }
0xb9: {  	s31 =	sshll.u32 s1, $0xD;
	s1 =	sshrl.u32 s1, $0x2  }
0xba: {  	s3 =	sand.u32 $0x4000, s31;
	s1 =	sadd.s32 s1, s30  }
0xbb: {  	s0 =	sor.u32 s3, s0;
	s1 =	sshll.u32 s1, $0x11  }
0xbc: {  	s0 =	sor.u32 s1, s0  }
0xbd: {  	s0 =	sadd.s32 $0x8F2B, s0  }
0xbe: {  	[sflag:s0] =	ssyncadd.remote.s32 $0x1  }
0xbf: {  	_ =	sfence.sel $0xFFFF  }
0xc0: {  	[dreg:$0x0] =	wrdreg $0xFFFFFFFF;
	(pc) =	sbr.abs _section_cstart, $3  }
0xc1: {  	[dreg:$0x1] =	wrdreg $0xFFFFFFFF  }
0xc2: {  	_ =	task.clear_ibuf [dreg:s7], $0x2FFFF;
	_ =	strace $0x9FFFFFFF  }
0xc3: {  	(tm) =	ssettm $0x7FFFFFFF  }
tec
execute0_lowered:
.L_overlay_start_1:
0x0: {  	(tag) =	ssettag $0x1  }
0x1: {  	s5 =	rddreg [dreg:$0x0]  }
0x2: {  	s0 =	rddreg [dreg:$0x1]  }
0x3: {  	s1 =	srdreg.scid;
	s10 =	stileid.u32  }
0x4: {  	s2 =	rddreg [dreg:$0x2];
	s3 =	simm.s32 $0x0;
	s11 =	simm.s32 $0x2800  }
0x5: {  	s15 =	simm.s32 $0x0;
	s7 =	sand.u32 $0x1, s1;
	s1 =	rddreg [dreg:$0x3]  }
0x6: {  	s4 =	sshll.u32 s10, $0x1;
	[smem:$0x7FF] =	sst s3;
	p0 =	seq.s32 s10, $0x0  }
0x7: {  	s4 =	sor.u32 s7, s4;
	_ =	strace $0x80000047;
	s8 =	ssub.s32 $0x2, s7  }
0x8: {  	p1 =	seq.s32 s7, $0x1;
	s31 =	sor.u32 s7, s10;
	s4 =	smul.u32 $0x500, s4  }
0x9: {  	s9 =	sshrl.u32 s8, $0x1;
	p0 =	por !p0, !p1;
	p2 =	sne.s32 s31, $0x0  }
0xa: {  	s8 =	ssub.s32 s8, s9;
	p1 =	por !p0, !p0;
	p0 =	sne.s32 s10, $0x0  }
0xb: {  	s12 =	sshll.u32 @!p2 s10, $0x6;
	s10 =	simm.s32 $0x7D;
	s13 =	sshrl.u32 @!p2 s2, $0x3  }
0xc: {  	s6 =	sadd.s32 s4, s5;
	s4 =	sadd.s32 $0xC000, s5;
	s5 =	sadd.s32 $0xC600, s5  }
0xd: {  	s7 =	smax.u32 s8, $0x1;
	s8 =	simm.s32 $0x1;
	s9 =	sshrl.u32 @!p0 s2, $0x3  }
0xe: {  	v0 =	vimm.f32 $1.000000000e+00;
	s12 =	sor.u32 @!p2 $0x1C01, s12;
	s14 =	sshrl.u32 @p1 s2, $0x3;
	s6 =	sadd.s32 $0x2000, s6  }
.LBB2_1:
0xf: {  	[tilespmem:s3], [sflag:$0x1] =	stream.linear.gather [hbm4b:s6+s3], $0x2800, $0x38;
	[tilespmem:$0x2AF8] =	vst v63  }
0x10: {  	_ =	swait.ge [sflag:s8], $0x2800  }
0x11: {  	[sflag:s8] =	ssyncset.done $0x0  }
0x12: {  	[sflag:s8] =	ssyncadd.s32 $0xFFFFD800  }
0x13: {  	[tilespmem:$0x2800] =	vst v0  }
0x14: {  	[tilespmem:$0x2810] =	vst v0  }
0x15: {  	[tilespmem:$0x2820] =	vst v0  }
0x16: {  	[tilespmem:$0x2830] =	vst v0  }
0x17: {  	[tilespmem:$0x2840] =	vst v0  }
0x18: {  	[tilespmem:$0x2850] =	vst v0  }
0x19: {  	[tilespmem:$0x2860] =	vst v0  }
0x1a: {  	s16 =	simm.s32 @!p0 $0x1C01;
	[tilespmem:$0x286D] =	vst v0  }
0x1b: {  	[spmem:s9], [sflag:s16] =	dma.local @!p0 [hbm:s0], $0x4F0  }
0x1c: {  	s16 =	simm.s32 @!p0 $0x1  }
0x1d: {  	_ =	swait.ge @!p0 [sflag:s16], $0x4F0  }
0x1e: {  	[sflag:s16] =	ssyncset.done @!p0 $0x0  }
0x1f: {  	[sflag:s16] =	ssyncadd.s32 @!p0 $0xFFFFFB10  }
0x20: {  	s31 =	simm.s32 $0x0;
	[bflag:$0x0] =	sbarrier.arrive $0xFFFF  }
0x21: {  	[spmem:s2] =	stream.indirect.scatter.add.f32 [tilespmem:s11], [sflag:$0x1], $0x1, s31, s10, $0xb8;
	[tilespmem:$0x2AF8] =	vst v63  }
0x22: {  	_ =	swait.ge [sflag:s8], $0x7D  }
0x23: {  	s16 =	simm.s32 $0x200;
	[sflag:s8] =	ssyncset.done $0x0  }
.LBB2_2:
0x24: {  	s17 =	sshra.s32 s16, $0x2;
	[sflag:s8] =	ssyncadd.s32 $0xFFFFFF83;
	p3 =	sne.s32 s16, $0x9E00  }
0x25: {  	[spmem:s2] =	stream.indirect.scatter.add.f32 [tilespmem:s11], [sflag:$0x1], $0x1, s17, s10, $0xb8;
	[tilespmem:$0x2AF8] =	vst v63  }
.Ltmp0:
0x26: {  	_ = 	snop;
	(pc) =	sbr.rel @p3 .LBB2_2-.Ltmp0, $4  }
0x27: {  	_ = 	snop  }
0x28: {  	s16 =	sadd.s32 $0x200, s16  }
0x29: {  	_ =	swait.ge [sflag:s8], $0x7D  }
0x2a: {  	[sflag:s8] =	ssyncset.done $0x0  }
0x2b: {  	[sflag:s8] =	ssyncadd.s32 $0xFFFFFF83  }
0x2c: {  	s16 =	simm.s32 @!p2 $0x1;
	[bflag:$0x0] =	sbarrier.arrive $0xFFFF  }
0x2d: {  	[hbm:s4], [sflag:s12] =	dma.local @!p2 [spmem:s13], $0x4F0  }
0x2e: {  	_ =	swait.ge @!p2 [sflag:s16], $0x4F0  }
0x2f: {  	s15 =	sadd.s32 $0x1, s15;
	[sflag:s16] =	ssyncset.done @!p2 $0x0  }
0x30: {  	p3 =	sne.s32 s15, s7;
	[sflag:s16] =	ssyncadd.s32 @!p2 $0xFFFFFB10;
	s16 =	simm.s32 @p1 $0x1C01  }
0x31: {  	[hbm:s5], [sflag:s16] =	dma.local @p1 [spmem:s14], $0x4F0  }
.Ltmp1:
0x32: {  	_ = 	snop;
	(pc) =	sbr.rel @p3 .LBB2_1-.Ltmp1, $4  }
0x33: {  	s16 =	simm.s32 @p1 $0x1  }
0x34: {  	_ =	swait.ge @p1 [sflag:s16], $0x4F0  }
0x35: {  	[sflag:s16] =	ssyncset.done @p1 $0x0  }
0x36: {  	[sflag:s16] =	ssyncadd.s32 @p1 $0xFFFFFB10  }
0x37: {  	_ =	sfence.sel $0x180000  }
0x38: {  	[bflag:$0x0] =	sbarrier.arrive $0xFFFF  }
0x39: {  	_ =	strace $0x90000047  }
0x3a: {  	s0 =	sadd.s32 @!p0 $0x100000, s1;
	[bflag:$0x2] =	sbarrier.arrive $0xFFFF  }
0x3b: {  	[sflag:s0] =	ssyncadd.tile.s32 @!p0 $0x1;
	_ =	shalt  }
.Lfunc_end2:
_tile_overlayer_lowered:
.L_overlay_start_2:
0x3c: {  	(tag) =	ssettag $0x2  }
0x3d: {  	s0 =	rddreg [dreg:$0x0];
	s2 =	stileid.u32  }
0x3e: {  	s1 =	rddreg [dreg:$0x1];
	p0 =	sne.s32 s2, $0x0  }
0x3f: {  	s3 =	rddreg [dreg:$0x2];
	[bflag:$0x3] =	sbarrier.arrive $0xFFFF;
	s2 =	simm.s32 @!p0 $0x1C01  }
0x40: {  	[timem:s3], [sflag:s2] =	dma.local @!p0 [hbm:s0], s1  }
0x41: {  	s0 =	simm.s32 @!p0 $0x1  }
0x42: {  	_ =	swait.ge @!p0 [sflag:s0], s1  }
0x43: {  	s1 =	ssub.s32 @!p0 $0x0, s1;
	[sflag:s0] =	ssyncset.done @!p0 $0x0  }
0x44: {  	[sflag:s0] =	ssyncadd.s32 @!p0 s1  }
0x45: {  	[bflag:$0x3] =	sbarrier.arrive $0xFFFF  }
0x46: {  	_ =	shalt  }

</sc_bundles>
